<compile_context>
chip_gen: v7x
topology: tpu7x:2x2x1
jax: 0.10.2.dev20260603
libtpu: 0.0.44.dev20260713+nightly
codegen_flags: <defaults>
</compile_context>

<pallas_src>
import functools

import jax
import jax.numpy as jnp
from jax import lax
from jax.experimental import pallas as pl
from jax.experimental.pallas import tpu as pltpu
from jax.experimental.pallas import tpu_sc as plsc

NC = 2
NS = 16
NW = NC * NS
L = 16
CH = 128

N = 10000
D = 128
E = 320000
NPAD = 10240
PT = -(-E // (NW * CH)) * CH
EPAD = PT * NW


def _mesh():
    return plsc.VectorSubcoreMesh(core_axis_name="c", subcore_axis_name="s")


DW = 16


def _deg_kernel(dstp):
    @functools.partial(
        pl.kernel,
        mesh=_mesh(),
        out_type=jax.ShapeDtypeStruct((NC, NPAD, DW), jnp.float32),
        scratch_types=[
            pltpu.VMEM((CH,), jnp.int32),
            pltpu.VMEM((CH, DW), jnp.float32),
            pltpu.VMEM((CH, DW), jnp.float32),
            pltpu.VMEM_SHARED((NPAD, DW), jnp.float32),
        ],
    )
    def k(dst_hbm, out_hbm, dbuf, ones_buf, zbuf, acc_sh):
        c = lax.axis_index("c")
        s = lax.axis_index("s")
        w = c * NS + s

        def fill(i, _):
            ones_buf[i, :] = jnp.ones((DW,), jnp.float32)
            zbuf[i, :] = jnp.zeros((DW,), jnp.float32)
            return 0

        lax.fori_loop(0, CH, fill, 0)

        rows_per_tile = NPAD // NS

        def zcopy(r, _):
            pltpu.sync_copy(zbuf, acc_sh.at[pl.ds(s * rows_per_tile + r * CH, CH)])
            return 0

        lax.fori_loop(0, rows_per_tile // CH, zcopy, 0)
        plsc.subcore_barrier()

        def edge_body(g, _):
            base = w * PT + g * CH
            pltpu.sync_copy(dst_hbm.at[pl.ds(base, CH)], dbuf)
            pltpu.sync_copy(ones_buf, acc_sh.at[dbuf], add=True)
            return 0

        lax.fori_loop(0, PT // CH, edge_body, 0)
        plsc.subcore_barrier()

        pltpu.sync_copy(
            acc_sh.at[pl.ds(s * rows_per_tile, rows_per_tile)],
            out_hbm.at[c, pl.ds(s * rows_per_tile, rows_per_tile)],
        )

    return k(dstp)


def _scatter_kernel(z, srcp, dstp):
    @functools.partial(
        pl.kernel,
        mesh=_mesh(),
        out_type=jax.ShapeDtypeStruct((NC, NPAD, D), jnp.float32),
        scratch_types=[
            pltpu.VMEM((CH,), jnp.int32),
            pltpu.VMEM((CH,), jnp.int32),
            pltpu.VMEM((CH, D), jnp.float32),
            pltpu.VMEM((CH, D), jnp.float32),
            pltpu.VMEM_SHARED((NPAD, D), jnp.float32),
            pltpu.SemaphoreType.DMA,
        ],
    )
    def k(z_hbm, src_hbm, dst_hbm, out_hbm, sbuf, dbuf, rows, zbuf, acc_sh, sem):
        c = lax.axis_index("c")
        s = lax.axis_index("s")
        w = c * NS + s

        def zrow(i, _):
            for j in range(D // L):
                zbuf[i, pl.ds(j * L, L)] = jnp.zeros((L,), jnp.float32)
            return 0

        lax.fori_loop(0, CH, zrow, 0)

        rows_per_tile = NPAD // NS

        def zcopy(r, _):
            pltpu.sync_copy(zbuf, acc_sh.at[pl.ds(s * rows_per_tile + r * CH, CH)])
            return 0

        lax.fori_loop(0, rows_per_tile // CH, zcopy, 0)
        plsc.subcore_barrier()

        def edge_body(g, _):
            base = w * PT + g * CH
            pltpu.sync_copy(src_hbm.at[pl.ds(base, CH)], sbuf)
            pltpu.sync_copy(dst_hbm.at[pl.ds(base, CH)], dbuf)
            pltpu.async_copy(z_hbm.at[sbuf], rows, sem).wait()
            pltpu.sync_copy(rows, acc_sh.at[dbuf], add=True)
            return 0

        lax.fori_loop(0, PT // CH, edge_body, 0)
        plsc.subcore_barrier()

        pltpu.sync_copy(
            acc_sh.at[pl.ds(s * rows_per_tile, rows_per_tile)],
            out_hbm.at[c, pl.ds(s * rows_per_tile, rows_per_tile)],
        )

    return k(z, srcp, dstp)


_BR = 1024


def _tc_first(xp, W1, deg2d):
    def body(x_ref, w_ref, deg_ref, z_ref, dinv_ref):
        dinv = lax.rsqrt(deg_ref[...] + 1.0)
        dinv_ref[...] = dinv
        z_ref[...] = (
            jnp.dot(x_ref[...], w_ref[...], preferred_element_type=jnp.float32)
            * dinv
        )

    return pl.pallas_call(
        body,
        grid=(NPAD // _BR,),
        in_specs=[
            pl.BlockSpec((_BR, D), lambda i: (i, 0)),
            pl.BlockSpec((D, D), lambda i: (0, 0)),
            pl.BlockSpec((_BR, 1), lambda i: (i, 0)),
        ],
        out_specs=[
            pl.BlockSpec((_BR, D), lambda i: (i, 0)),
            pl.BlockSpec((_BR, 1), lambda i: (i, 0)),
        ],
        out_shape=[
            jax.ShapeDtypeStruct((NPAD, D), jnp.float32),
            jax.ShapeDtypeStruct((NPAD, 1), jnp.float32),
        ],
    )(xp, W1, deg2d)


def _tc_mid(agg_a, agg_b, z1, dinv, b1, W2):
    def body(a_ref, bb_ref, z_ref, dinv_ref, bias_ref, w_ref, out_ref):
        h = (a_ref[...] + bb_ref[...] + z_ref[...]) * dinv_ref[...] + bias_ref[...]
        h = jnp.maximum(h, 0.0)
        out_ref[...] = (
            jnp.dot(h, w_ref[...], preferred_element_type=jnp.float32)
            * dinv_ref[...]
        )

    return pl.pallas_call(
        body,
        grid=(NPAD // _BR,),
        in_specs=[
            pl.BlockSpec((_BR, D), lambda i: (i, 0)),
            pl.BlockSpec((_BR, D), lambda i: (i, 0)),
            pl.BlockSpec((_BR, D), lambda i: (i, 0)),
            pl.BlockSpec((_BR, 1), lambda i: (i, 0)),
            pl.BlockSpec((1, D), lambda i: (0, 0)),
            pl.BlockSpec((D, D), lambda i: (0, 0)),
        ],
        out_specs=pl.BlockSpec((_BR, D), lambda i: (i, 0)),
        out_shape=jax.ShapeDtypeStruct((NPAD, D), jnp.float32),
    )(agg_a, agg_b, z1, dinv, b1, W2)


def _tc_last(agg_a, agg_b, z2, dinv, b2):
    def body(a_ref, bb_ref, z_ref, dinv_ref, bias_ref, out_ref):
        out_ref[...] = (
            (a_ref[...] + bb_ref[...] + z_ref[...]) * dinv_ref[...]
            + bias_ref[...]
        )

    return pl.pallas_call(
        body,
        grid=(NPAD // _BR,),
        in_specs=[
            pl.BlockSpec((_BR, D), lambda i: (i, 0)),
            pl.BlockSpec((_BR, D), lambda i: (i, 0)),
            pl.BlockSpec((_BR, D), lambda i: (i, 0)),
            pl.BlockSpec((_BR, 1), lambda i: (i, 0)),
            pl.BlockSpec((1, D), lambda i: (0, 0)),
        ],
        out_specs=pl.BlockSpec((_BR, D), lambda i: (i, 0)),
        out_shape=jax.ShapeDtypeStruct((NPAD, D), jnp.float32),
    )(agg_a, agg_b, z2, dinv, b2)


def kernel(node_features, edges, W1, b1, W2, b2):
    src = edges[:, 0].astype(jnp.int32)
    dst = edges[:, 1].astype(jnp.int32)
    pad = EPAD - E
    srcp = jnp.concatenate([src, jnp.zeros((pad,), jnp.int32)])
    dstp = jnp.concatenate([dst, jnp.full((pad,), N, jnp.int32)])

    xp = jnp.pad(node_features, ((0, NPAD - N), (0, 0)))
    b1r = b1.reshape(1, D)
    b2r = b2.reshape(1, D)

    deg_p = _deg_kernel(dstp)
    deg2d = (deg_p[0, :, 0] + deg_p[1, :, 0]).reshape(NPAD, 1)
    z1, dinv = _tc_first(xp, W1, deg2d)
    agg1 = _scatter_kernel(z1, srcp, dstp)
    z2 = _tc_mid(agg1[0], agg1[1], z1, dinv, b1r, W2)
    agg2 = _scatter_kernel(z2, srcp, dstp)
    out = _tc_last(agg2[0], agg2[1], z2, dinv, b2r)
    return out[:N]

# --- scband reference (transcript-rebuilt; emitter-appended) ---
"""Pipeline reference for scband-gnn-1520418423297 (READ-ONLY COPY).

The authoritative reference and input builder live on the scoring server;
editing this copy changes nothing except your own understanding.
"""

import jax, jax.numpy as jnp
import numpy as np

N_NODES = 10000
D_IN = 128
D_H0 = 128
D_H1 = 128
N_EDGES = 320000


def _gcn_conv(x, src, dst, W, b, num_nodes):
    # GCNConv: x' = D^{-1/2} (A + I) D^{-1/2} X W + b
    x = x @ W
    loops = jnp.arange(num_nodes, dtype=src.dtype)
    src2 = jnp.concatenate([src, loops])
    dst2 = jnp.concatenate([dst, loops])
    deg = jnp.zeros((num_nodes,), dtype=x.dtype).at[dst2].add(1.0)
    dinv = jnp.where(deg > 0, deg ** -0.5, 0.0)
    norm = dinv[src2] * dinv[dst2]
    msg = x[src2] * norm[:, None]
    out = jnp.zeros((num_nodes, W.shape[1]), dtype=x.dtype).at[dst2].add(msg)
    return out + b


def setup_inputs(seed: int = 0) -> dict:
    key = jax.random.key(seed)
    k1, k2, k3, k4 = jax.random.split(key, 4)
    node_features = jax.random.normal(k1, (N_NODES, D_IN), dtype=jnp.float32)
    edges = jax.random.randint(k2, (N_EDGES, 2), 0, N_NODES, dtype=jnp.int64 if jax.config.jax_enable_x64 else jnp.int32)
    W1 = jax.random.normal(k3, (D_IN, D_H0), dtype=jnp.float32) * (1.0 / np.sqrt(D_IN))
    b1 = jnp.zeros((D_H0,), dtype=jnp.float32)
    W2 = jax.random.normal(k4, (D_H0, D_H1), dtype=jnp.float32) * (1.0 / np.sqrt(D_H0))
    b2 = jnp.zeros((D_H1,), dtype=jnp.float32)
    return {"node_features": node_features, "edges": edges, "W1": W1, "b1": b1, "W2": W2, "b2": b2}


def reference(node_features, edges, W1, b1, W2, b2):
    # edge_index = edges.t(); row 0 = src, row 1 = dst
    edge_index = edges.T
    src = edge_index[0]
    dst = edge_index[1]
    x = _gcn_conv(node_features, src, dst, W1, b1, N_NODES)
    x = jax.nn.relu(x)
    # F.dropout with training=self.training; eval mode -> identity
    x = _gcn_conv(x, src, dst, W2, b2, N_NODES)
    return x

if __name__ == "__main__":
    import jax
    _d = setup_inputs()
    print(jax.jit(kernel)(*tuple(_d.values())))

</pallas_src>

<mosaic_0001>
#map = affine_map<(d0, d1) -> (0)>
#map1 = affine_map<(d0, d1) -> (0, 0, 0)>
module attributes {stable_mosaic.version = 14 : i64} {
  func.func @k(%arg0: i32, %arg1: i32, %arg2: memref<323584xi32, #tpu.memory_space<hbm>>, %arg3: memref<2x10240x16xf32, #tpu.memory_space<hbm>>, %arg4: memref<128xi32, #tpu.memory_space<vmem>>, %arg5: memref<128x16xf32, #tpu.memory_space<vmem>>, %arg6: memref<128x16xf32, #tpu.memory_space<vmem>>, %arg7: memref<10240x16xf32, #tpu.memory_space<vmem_shared>>) attributes {dimension_semantics = [#tpu.dimension_semantics<core_parallel>, #tpu.dimension_semantics<subcore_parallel>], iteration_bounds = array<i64: 2, 16>, scalar_prefetch = 0 : i64, scratch_operands = 4 : i64, tpu.core_type = #tpu.core_type<sc_vector_subcore>, window_params = [{transform_indices = #map}, {transform_indices = #map1}]} {
    %mul3A = arith.constant 16 : i32
    %mul3A_0 = arith.muli %arg0, %mul3A : i32
    %add3A = arith.addi %mul3A_0, %arg1 : i32
    %scan3A = arith.constant 0 : i32
    %scan3A_1 = arith.constant 0 : i32
    %scan3A_2 = arith.constant 128 : i32
    %scan3A_3 = arith.addi %scan3A_1, %scan3A_2 : i32
    %scan3A_4 = arith.constant 1 : i32
    %scan3A_5 = scf.for %scan3A_26 = %scan3A_1 to %scan3A_3 step %scan3A_4 iter_args(%scan3A_27 = %scan3A) -> (i32)  : i32 {
      %broadcast_in_dim3A = arith.constant 1.000000e+00 : f32
      %broadcast_in_dim3A_28 = vector.broadcast %broadcast_in_dim3A : f32 to vector<16xf32>
      %swap3A = arith.index_cast %scan3A_26 : i32 to index
      %swap3A_29 = arith.constant 0 : index
      %swap3A_30 = tpu.vector_load %arg5[%swap3A, %swap3A_29] {strides = array<i32>} : memref<128x16xf32, #tpu.memory_space<vmem>>, vector<1x16xf32>,
      %swap3A_31 = vector.shape_cast %swap3A_30 : vector<1x16xf32> to vector<16xf32>
      %swap3A_32 = vector.shape_cast %broadcast_in_dim3A_28 : vector<16xf32> to vector<1x16xf32>
      tpu.vector_store %arg5[%swap3A, %swap3A_29], %swap3A_32 {strides = array<i32>} : memref<128x16xf32, #tpu.memory_space<vmem>>, vector<1x16xf32>,
      %broadcast_in_dim3A_33 = arith.constant 0.000000e+00 : f32
      %broadcast_in_dim3A_34 = vector.broadcast %broadcast_in_dim3A_33 : f32 to vector<16xf32>
      %swap3A_35 = arith.index_cast %scan3A_26 : i32 to index
      %swap3A_36 = arith.constant 0 : index
      %swap3A_37 = tpu.vector_load %arg6[%swap3A_35, %swap3A_36] {strides = array<i32>} : memref<128x16xf32, #tpu.memory_space<vmem>>, vector<1x16xf32>,
      %swap3A_38 = vector.shape_cast %swap3A_37 : vector<1x16xf32> to vector<16xf32>
      %swap3A_39 = vector.shape_cast %broadcast_in_dim3A_34 : vector<16xf32> to vector<1x16xf32>
      tpu.vector_store %arg6[%swap3A_35, %swap3A_36], %swap3A_39 {strides = array<i32>} : memref<128x16xf32, #tpu.memory_space<vmem>>, vector<1x16xf32>,
      %scan3A_40 = arith.constant 0 : i32
      scf.yield %scan3A_40 : i32
    }
    %scan3A_6 = arith.constant 128 : i32
    %scan3A_7 = arith.constant 0 : i32
    %scan3A_8 = arith.constant 0 : i32
    %scan3A_9 = arith.constant 5 : i32
    %scan3A_10 = arith.addi %scan3A_8, %scan3A_9 : i32
    %scan3A_11 = arith.constant 1 : i32
    %scan3A_12 = scf.for %scan3A_26 = %scan3A_8 to %scan3A_10 step %scan3A_11 iter_args(%scan3A_27 = %scan3A_7) -> (i32)  : i32 {
      %mul3A_28 = arith.constant 640 : i32
      %mul3A_29 = arith.muli %arg1, %mul3A_28 : i32
      %mul3A_30 = arith.constant 128 : i32
      %mul3A_31 = arith.muli %scan3A_26, %mul3A_30 : i32
      %add3A_32 = arith.addi %mul3A_29, %mul3A_31 : i32
      "tpu.region"() ({
        %run_scoped3A = tpu.sem_alloc : memref<!tpu.dma_semaphore, #tpu.memory_space<semaphore_mem>>
        %dma_start3A = arith.constant 0 : i32
        %dma_start3A_34 = tpu.memref_slice %arg7[%add3A_32, %dma_start3A] : memref<10240x16xf32, #tpu.memory_space<vmem_shared>> -> memref<128x16xf32, #tpu.memory_space<vmem_shared>>
        %dma_start3A_35 = arith.constant 0 : i32
        %dma_start3A_36 = tpu.memref_slice %arg7[%add3A_32, %dma_start3A_35] : memref<10240x16xf32, #tpu.memory_space<vmem_shared>> -> memref<128x16xf32, #tpu.memory_space<vmem_shared>>
        tpu.enqueue_dma source(%arg6 : memref<128x16xf32, #tpu.memory_space<vmem>>) target(%dma_start3A_36 : memref<128x16xf32, #tpu.memory_space<vmem_shared>>) target_semaphore(%run_scoped3A : memref<!tpu.dma_semaphore, #tpu.memory_space<semaphore_mem>>)
        %dma_wait3A = arith.constant 0 : i32
        %dma_wait3A_37 = tpu.memref_slice %arg7[%add3A_32, %dma_wait3A] : memref<10240x16xf32, #tpu.memory_space<vmem_shared>> -> memref<128x16xf32, #tpu.memory_space<vmem_shared>>
        %dma_wait3A_38 = arith.constant 0 : i32
        %dma_wait3A_39 = tpu.memref_slice %arg7[%add3A_32, %dma_wait3A_38] : memref<10240x16xf32, #tpu.memory_space<vmem_shared>> -> memref<128x16xf32, #tpu.memory_space<vmem_shared>>
        tpu.wait_dma2 semaphore(%run_scoped3A : memref<!tpu.dma_semaphore, #tpu.memory_space<semaphore_mem>>) src(%arg6 : memref<128x16xf32, #tpu.memory_space<vmem>>) dst(%dma_wait3A_39 : memref<128x16xf32, #tpu.memory_space<vmem_shared>>)
        tpu.yield
      }) : () -> ()
      %scan3A_33 = arith.constant 0 : i32
      scf.yield %scan3A_33 : i32
    }
    %scan3A_13 = arith.constant 5 : i32
    %barrier3A = arith.constant 0 : index
    tpu.barrier barrier_id(%barrier3A)
    %scan3A_14 = arith.constant 0 : i32
    %scan3A_15 = arith.constant 0 : i32
    %scan3A_16 = arith.constant 79 : i32
    %scan3A_17 = arith.addi %scan3A_15, %scan3A_16 : i32
    %scan3A_18 = arith.constant 1 : i32
    %scan3A_19 = scf.for %scan3A_26 = %scan3A_15 to %scan3A_17 step %scan3A_18 iter_args(%scan3A_27 = %scan3A_14) -> (i32)  : i32 {
      %mul3A_28 = arith.constant 10112 : i32
      %mul3A_29 = arith.muli %add3A, %mul3A_28 : i32
      %mul3A_30 = arith.constant 128 : i32
      %mul3A_31 = arith.muli %scan3A_26, %mul3A_30 : i32
      %add3A_32 = arith.addi %mul3A_29, %mul3A_31 : i32
      "tpu.region"() ({
        %run_scoped3A = tpu.sem_alloc : memref<!tpu.dma_semaphore, #tpu.memory_space<semaphore_mem>>
        %dma_start3A = tpu.memref_slice %arg2[%add3A_32] : memref<323584xi32, #tpu.memory_space<hbm>> -> memref<128xi32, #tpu.memory_space<hbm>>
        %dma_start3A_34 = tpu.memref_slice %arg2[%add3A_32] : memref<323584xi32, #tpu.memory_space<hbm>> -> memref<128xi32, #tpu.memory_space<hbm>>
        tpu.enqueue_dma source(%dma_start3A_34 : memref<128xi32, #tpu.memory_space<hbm>>) target(%arg4 : memref<128xi32, #tpu.memory_space<vmem>>) target_semaphore(%run_scoped3A : memref<!tpu.dma_semaphore, #tpu.memory_space<semaphore_mem>>)
        %dma_wait3A = tpu.memref_slice %arg2[%add3A_32] : memref<323584xi32, #tpu.memory_space<hbm>> -> memref<128xi32, #tpu.memory_space<hbm>>
        %dma_wait3A_35 = tpu.memref_slice %arg2[%add3A_32] : memref<323584xi32, #tpu.memory_space<hbm>> -> memref<128xi32, #tpu.memory_space<hbm>>
        tpu.wait_dma2 semaphore(%run_scoped3A : memref<!tpu.dma_semaphore, #tpu.memory_space<semaphore_mem>>) src(%dma_wait3A_35 : memref<128xi32, #tpu.memory_space<hbm>>) dst(%arg4 : memref<128xi32, #tpu.memory_space<vmem>>)
        tpu.yield
      }) : () -> ()
      "tpu.region"() ({
        %run_scoped3A = tpu.sem_alloc : memref<!tpu.dma_semaphore, #tpu.memory_space<semaphore_mem>>
        %dma_start3A = arith.constant 0 : i32
        %dma_start3A_34 = arith.constant 0 : i32
        %dma_start3A_35 = tpu.memref_slice %arg7[%dma_start3A, %dma_start3A_34] : memref<10240x16xf32, #tpu.memory_space<vmem_shared>> -> memref<10240x16xf32, #tpu.memory_space<vmem_shared>>
        tpu.enqueue_indirect_dma source(%arg5 : memref<128x16xf32, #tpu.memory_space<vmem>>) target(%dma_start3A_35 : memref<10240x16xf32, #tpu.memory_space<vmem_shared>>) offsets(%arg4 : memref<128xi32, #tpu.memory_space<vmem>>) semaphore(%run_scoped3A : memref<!tpu.dma_semaphore, #tpu.memory_space<semaphore_mem>>) {add = true}
        %dma_wait3A = arith.constant 0 : i32
        %dma_wait3A_36 = arith.constant 0 : i32
        %dma_wait3A_37 = tpu.memref_slice %arg7[%dma_wait3A, %dma_wait3A_36] : memref<10240x16xf32, #tpu.memory_space<vmem_shared>> -> memref<10240x16xf32, #tpu.memory_space<vmem_shared>>
        tpu.wait_indirect_dma semaphore(%run_scoped3A : memref<!tpu.dma_semaphore, #tpu.memory_space<semaphore_mem>>) src(%arg5 : memref<128x16xf32, #tpu.memory_space<vmem>>) dst(%dma_wait3A_37 : memref<10240x16xf32, #tpu.memory_space<vmem_shared>>)
        tpu.yield
      }) : () -> ()
      %scan3A_33 = arith.constant 0 : i32
      scf.yield %scan3A_33 : i32
    }
    %scan3A_20 = arith.constant 79 : i32
    %barrier3A_21 = arith.constant 0 : index
    tpu.barrier barrier_id(%barrier3A_21)
    %mul3A_22 = arith.constant 640 : i32
    %mul3A_23 = arith.muli %arg1, %mul3A_22 : i32
    %mul3A_24 = arith.constant 640 : i32
    %mul3A_25 = arith.muli %arg1, %mul3A_24 : i32
    "tpu.region"() ({
      %run_scoped3A = tpu.sem_alloc : memref<!tpu.dma_semaphore, #tpu.memory_space<semaphore_mem>>
      %dma_start3A = arith.constant 0 : i32
      %dma_start3A_26 = tpu.memref_slice %arg3[%arg0, %mul3A_25, %dma_start3A] : memref<2x10240x16xf32, #tpu.memory_space<hbm>> -> memref<1x640x16xf32, #tpu.memory_space<hbm>>
      %dma_start3A_27 = tpu.memref_squeeze %dma_start3A_26 : memref<1x640x16xf32, #tpu.memory_space<hbm>> -> memref<640x16xf32, #tpu.memory_space<hbm>>
      %dma_start3A_28 = arith.constant 0 : i32
      %dma_start3A_29 = tpu.memref_slice %arg7[%mul3A_23, %dma_start3A_28] : memref<10240x16xf32, #tpu.memory_space<vmem_shared>> -> memref<640x16xf32, #tpu.memory_space<vmem_shared>>
      tpu.enqueue_dma source(%dma_start3A_29 : memref<640x16xf32, #tpu.memory_space<vmem_shared>>) target(%dma_start3A_27 : memref<640x16xf32, #tpu.memory_space<hbm>>) target_semaphore(%run_scoped3A : memref<!tpu.dma_semaphore, #tpu.memory_space<semaphore_mem>>)
      %dma_wait3A = arith.constant 0 : i32
      %dma_wait3A_30 = tpu.memref_slice %arg3[%arg0, %mul3A_25, %dma_wait3A] : memref<2x10240x16xf32, #tpu.memory_space<hbm>> -> memref<1x640x16xf32, #tpu.memory_space<hbm>>
      %dma_wait3A_31 = tpu.memref_squeeze %dma_wait3A_30 : memref<1x640x16xf32, #tpu.memory_space<hbm>> -> memref<640x16xf32, #tpu.memory_space<hbm>>
      %dma_wait3A_32 = arith.constant 0 : i32
      %dma_wait3A_33 = tpu.memref_slice %arg7[%mul3A_23, %dma_wait3A_32] : memref<10240x16xf32, #tpu.memory_space<vmem_shared>> -> memref<640x16xf32, #tpu.memory_space<vmem_shared>>
      tpu.wait_dma2 semaphore(%run_scoped3A : memref<!tpu.dma_semaphore, #tpu.memory_space<semaphore_mem>>) src(%dma_wait3A_33 : memref<640x16xf32, #tpu.memory_space<vmem_shared>>) dst(%dma_wait3A_31 : memref<640x16xf32, #tpu.memory_space<hbm>>)
      tpu.yield
    }) : () -> ()
    return
  }
}

#map = affine_map<(d0, d1) -> (0, 0)>
#map1 = affine_map<(d0, d1) -> (0)>
#map2 = affine_map<(d0, d1) -> (0, 0, 0)>
module attributes {stable_mosaic.version = 14 : i64} {
  func.func @k(%arg0: i32, %arg1: i32, %arg2: memref<10240x128xf32, #tpu.memory_space<hbm>>, %arg3: memref<323584xi32, #tpu.memory_space<hbm>>, %arg4: memref<323584xi32, #tpu.memory_space<hbm>>, %arg5: memref<2x10240x128xf32, #tpu.memory_space<hbm>>, %arg6: memref<128xi32, #tpu.memory_space<vmem>>, %arg7: memref<128xi32, #tpu.memory_space<vmem>>, %arg8: memref<128x128xf32, #tpu.memory_space<vmem>>, %arg9: memref<128x128xf32, #tpu.memory_space<vmem>>, %arg10: memref<10240x128xf32, #tpu.memory_space<vmem_shared>>, %arg11: memref<!tpu.dma_semaphore, #tpu.memory_space<semaphore_mem>>) attributes {dimension_semantics = [#tpu.dimension_semantics<core_parallel>, #tpu.dimension_semantics<subcore_parallel>], iteration_bounds = array<i64: 2, 16>, scalar_prefetch = 0 : i64, scratch_operands = 6 : i64, tpu.core_type = #tpu.core_type<sc_vector_subcore>, window_params = [{transform_indices = #map}, {transform_indices = #map1}, {transform_indices = #map1}, {transform_indices = #map2}]} {
    %mul3A = arith.constant 16 : i32
    %mul3A_0 = arith.muli %arg0, %mul3A : i32
    %add3A = arith.addi %mul3A_0, %arg1 : i32
    %scan3A = arith.constant 0 : i32
    %scan3A_1 = arith.constant 0 : i32
    %scan3A_2 = arith.constant 128 : i32
    %scan3A_3 = arith.addi %scan3A_1, %scan3A_2 : i32
    %scan3A_4 = arith.constant 1 : i32
    %scan3A_5 = scf.for %scan3A_26 = %scan3A_1 to %scan3A_3 step %scan3A_4 iter_args(%scan3A_27 = %scan3A) -> (i32)  : i32 {
      %broadcast_in_dim3A = arith.constant 0.000000e+00 : f32
      %broadcast_in_dim3A_28 = vector.broadcast %broadcast_in_dim3A : f32 to vector<16xf32>
      %swap3A = arith.index_cast %scan3A_26 : i32 to index
      %swap3A_29 = arith.constant 0 : index
      %swap3A_30 = tpu.vector_load %arg9[%swap3A, %swap3A_29] {strides = array<i32>} : memref<128x128xf32, #tpu.memory_space<vmem>>, vector<1x16xf32>,
      %swap3A_31 = vector.shape_cast %swap3A_30 : vector<1x16xf32> to vector<16xf32>
      %swap3A_32 = vector.shape_cast %broadcast_in_dim3A_28 : vector<16xf32> to vector<1x16xf32>
      tpu.vector_store %arg9[%swap3A, %swap3A_29], %swap3A_32 {strides = array<i32>} : memref<128x128xf32, #tpu.memory_space<vmem>>, vector<1x16xf32>,
      %broadcast_in_dim3A_33 = arith.constant 0.000000e+00 : f32
      %broadcast_in_dim3A_34 = vector.broadcast %broadcast_in_dim3A_33 : f32 to vector<16xf32>
      %swap3A_35 = arith.index_cast %scan3A_26 : i32 to index
      %swap3A_36 = arith.constant 16 : index
      %swap3A_37 = tpu.vector_load %arg9[%swap3A_35, %swap3A_36] {strides = array<i32>} : memref<128x128xf32, #tpu.memory_space<vmem>>, vector<1x16xf32>,
      %swap3A_38 = vector.shape_cast %swap3A_37 : vector<1x16xf32> to vector<16xf32>
      %swap3A_39 = vector.shape_cast %broadcast_in_dim3A_34 : vector<16xf32> to vector<1x16xf32>
      tpu.vector_store %arg9[%swap3A_35, %swap3A_36], %swap3A_39 {strides = array<i32>} : memref<128x128xf32, #tpu.memory_space<vmem>>, vector<1x16xf32>,
      %broadcast_in_dim3A_40 = arith.constant 0.000000e+00 : f32
      %broadcast_in_dim3A_41 = vector.broadcast %broadcast_in_dim3A_40 : f32 to vector<16xf32>
      %swap3A_42 = arith.index_cast %scan3A_26 : i32 to index
      %swap3A_43 = arith.constant 32 : index
      %swap3A_44 = tpu.vector_load %arg9[%swap3A_42, %swap3A_43] {strides = array<i32>} : memref<128x128xf32, #tpu.memory_space<vmem>>, vector<1x16xf32>,
      %swap3A_45 = vector.shape_cast %swap3A_44 : vector<1x16xf32> to vector<16xf32>
      %swap3A_46 = vector.shape_cast %broadcast_in_dim3A_41 : vector<16xf32> to vector<1x16xf32>
      tpu.vector_store %arg9[%swap3A_42, %swap3A_43], %swap3A_46 {strides = array<i32>} : memref<128x128xf32, #tpu.memory_space<vmem>>, vector<1x16xf32>,
      %broadcast_in_dim3A_47 = arith.constant 0.000000e+00 : f32
      %broadcast_in_dim3A_48 = vector.broadcast %broadcast_in_dim3A_47 : f32 to vector<16xf32>
      %swap3A_49 = arith.index_cast %scan3A_26 : i32 to index
      %swap3A_50 = arith.constant 48 : index
      %swap3A_51 = tpu.vector_load %arg9[%swap3A_49, %swap3A_50] {strides = array<i32>} : memref<128x128xf32, #tpu.memory_space<vmem>>, vector<1x16xf32>,
      %swap3A_52 = vector.shape_cast %swap3A_51 : vector<1x16xf32> to vector<16xf32>
      %swap3A_53 = vector.shape_cast %broadcast_in_dim3A_48 : vector<16xf32> to vector<1x16xf32>
      tpu.vector_store %arg9[%swap3A_49, %swap3A_50], %swap3A_53 {strides = array<i32>} : memref<128x128xf32, #tpu.memory_space<vmem>>, vector<1x16xf32>,
      %broadcast_in_dim3A_54 = arith.constant 0.000000e+00 : f32
      %broadcast_in_dim3A_55 = vector.broadcast %broadcast_in_dim3A_54 : f32 to vector<16xf32>
      %swap3A_56 = arith.index_cast %scan3A_26 : i32 to index
      %swap3A_57 = arith.constant 64 : index
      %swap3A_58 = tpu.vector_load %arg9[%swap3A_56, %swap3A_57] {strides = array<i32>} : memref<128x128xf32, #tpu.memory_space<vmem>>, vector<1x16xf32>,
      %swap3A_59 = vector.shape_cast %swap3A_58 : vector<1x16xf32> to vector<16xf32>
      %swap3A_60 = vector.shape_cast %broadcast_in_dim3A_55 : vector<16xf32> to vector<1x16xf32>
      tpu.vector_store %arg9[%swap3A_56, %swap3A_57], %swap3A_60 {strides = array<i32>} : memref<128x128xf32, #tpu.memory_space<vmem>>, vector<1x16xf32>,
      %broadcast_in_dim3A_61 = arith.constant 0.000000e+00 : f32
      %broadcast_in_dim3A_62 = vector.broadcast %broadcast_in_dim3A_61 : f32 to vector<16xf32>
      %swap3A_63 = arith.index_cast %scan3A_26 : i32 to index
      %swap3A_64 = arith.constant 80 : index
      %swap3A_65 = tpu.vector_load %arg9[%swap3A_63, %swap3A_64] {strides = array<i32>} : memref<128x128xf32, #tpu.memory_space<vmem>>, vector<1x16xf32>,
      %swap3A_66 = vector.shape_cast %swap3A_65 : vector<1x16xf32> to vector<16xf32>
      %swap3A_67 = vector.shape_cast %broadcast_in_dim3A_62 : vector<16xf32> to vector<1x16xf32>
      tpu.vector_store %arg9[%swap3A_63, %swap3A_64], %swap3A_67 {strides = array<i32>} : memref<128x128xf32, #tpu.memory_space<vmem>>, vector<1x16xf32>,
      %broadcast_in_dim3A_68 = arith.constant 0.000000e+00 : f32
      %broadcast_in_dim3A_69 = vector.broadcast %broadcast_in_dim3A_68 : f32 to vector<16xf32>
      %swap3A_70 = arith.index_cast %scan3A_26 : i32 to index
      %swap3A_71 = arith.constant 96 : index
      %swap3A_72 = tpu.vector_load %arg9[%swap3A_70, %swap3A_71] {strides = array<i32>} : memref<128x128xf32, #tpu.memory_space<vmem>>, vector<1x16xf32>,
      %swap3A_73 = vector.shape_cast %swap3A_72 : vector<1x16xf32> to vector<16xf32>
      %swap3A_74 = vector.shape_cast %broadcast_in_dim3A_69 : vector<16xf32> to vector<1x16xf32>
      tpu.vector_store %arg9[%swap3A_70, %swap3A_71], %swap3A_74 {strides = array<i32>} : memref<128x128xf32, #tpu.memory_space<vmem>>, vector<1x16xf32>,
      %broadcast_in_dim3A_75 = arith.constant 0.000000e+00 : f32
      %broadcast_in_dim3A_76 = vector.broadcast %broadcast_in_dim3A_75 : f32 to vector<16xf32>
      %swap3A_77 = arith.index_cast %scan3A_26 : i32 to index
      %swap3A_78 = arith.constant 112 : index
      %swap3A_79 = tpu.vector_load %arg9[%swap3A_77, %swap3A_78] {strides = array<i32>} : memref<128x128xf32, #tpu.memory_space<vmem>>, vector<1x16xf32>,
      %swap3A_80 = vector.shape_cast %swap3A_79 : vector<1x16xf32> to vector<16xf32>
      %swap3A_81 = vector.shape_cast %broadcast_in_dim3A_76 : vector<16xf32> to vector<1x16xf32>
      tpu.vector_store %arg9[%swap3A_77, %swap3A_78], %swap3A_81 {strides = array<i32>} : memref<128x128xf32, #tpu.memory_space<vmem>>, vector<1x16xf32>,
      %scan3A_82 = arith.constant 0 : i32
      scf.yield %scan3A_82 : i32
    }
    %scan3A_6 = arith.constant 128 : i32
    %scan3A_7 = arith.constant 0 : i32
    %scan3A_8 = arith.constant 0 : i32
    %scan3A_9 = arith.constant 5 : i32
    %scan3A_10 = arith.addi %scan3A_8, %scan3A_9 : i32
    %scan3A_11 = arith.constant 1 : i32
    %scan3A_12 = scf.for %scan3A_26 = %scan3A_8 to %scan3A_10 step %scan3A_11 iter_args(%scan3A_27 = %scan3A_7) -> (i32)  : i32 {
      %mul3A_28 = arith.constant 640 : i32
      %mul3A_29 = arith.muli %arg1, %mul3A_28 : i32
      %mul3A_30 = arith.constant 128 : i32
      %mul3A_31 = arith.muli %scan3A_26, %mul3A_30 : i32
      %add3A_32 = arith.addi %mul3A_29, %mul3A_31 : i32
      "tpu.region"() ({
        %run_scoped3A = tpu.sem_alloc : memref<!tpu.dma_semaphore, #tpu.memory_space<semaphore_mem>>
        %dma_start3A = arith.constant 0 : i32
        %dma_start3A_34 = tpu.memref_slice %arg10[%add3A_32, %dma_start3A] : memref<10240x128xf32, #tpu.memory_space<vmem_shared>> -> memref<128x128xf32, #tpu.memory_space<vmem_shared>>
        %dma_start3A_35 = arith.constant 0 : i32
        %dma_start3A_36 = tpu.memref_slice %arg10[%add3A_32, %dma_start3A_35] : memref<10240x128xf32, #tpu.memory_space<vmem_shared>> -> memref<128x128xf32, #tpu.memory_space<vmem_shared>>
        tpu.enqueue_dma source(%arg9 : memref<128x128xf32, #tpu.memory_space<vmem>>) target(%dma_start3A_36 : memref<128x128xf32, #tpu.memory_space<vmem_shared>>) target_semaphore(%run_scoped3A : memref<!tpu.dma_semaphore, #tpu.memory_space<semaphore_mem>>)
        %dma_wait3A = arith.constant 0 : i32
        %dma_wait3A_37 = tpu.memref_slice %arg10[%add3A_32, %dma_wait3A] : memref<10240x128xf32, #tpu.memory_space<vmem_shared>> -> memref<128x128xf32, #tpu.memory_space<vmem_shared>>
        %dma_wait3A_38 = arith.constant 0 : i32
        %dma_wait3A_39 = tpu.memref_slice %arg10[%add3A_32, %dma_wait3A_38] : memref<10240x128xf32, #tpu.memory_space<vmem_shared>> -> memref<128x128xf32, #tpu.memory_space<vmem_shared>>
        tpu.wait_dma2 semaphore(%run_scoped3A : memref<!tpu.dma_semaphore, #tpu.memory_space<semaphore_mem>>) src(%arg9 : memref<128x128xf32, #tpu.memory_space<vmem>>) dst(%dma_wait3A_39 : memref<128x128xf32, #tpu.memory_space<vmem_shared>>)
        tpu.yield
      }) : () -> ()
      %scan3A_33 = arith.constant 0 : i32
      scf.yield %scan3A_33 : i32
    }
    %scan3A_13 = arith.constant 5 : i32
    %barrier3A = arith.constant 0 : index
    tpu.barrier barrier_id(%barrier3A)
    %scan3A_14 = arith.constant 0 : i32
    %scan3A_15 = arith.constant 0 : i32
    %scan3A_16 = arith.constant 79 : i32
    %scan3A_17 = arith.addi %scan3A_15, %scan3A_16 : i32
    %scan3A_18 = arith.constant 1 : i32
    %scan3A_19 = scf.for %scan3A_26 = %scan3A_15 to %scan3A_17 step %scan3A_18 iter_args(%scan3A_27 = %scan3A_14) -> (i32)  : i32 {
      %mul3A_28 = arith.constant 10112 : i32
      %mul3A_29 = arith.muli %add3A, %mul3A_28 : i32
      %mul3A_30 = arith.constant 128 : i32
      %mul3A_31 = arith.muli %scan3A_26, %mul3A_30 : i32
      %add3A_32 = arith.addi %mul3A_29, %mul3A_31 : i32
      "tpu.region"() ({
        %run_scoped3A = tpu.sem_alloc : memref<!tpu.dma_semaphore, #tpu.memory_space<semaphore_mem>>
        %dma_start3A_38 = tpu.memref_slice %arg3[%add3A_32] : memref<323584xi32, #tpu.memory_space<hbm>> -> memref<128xi32, #tpu.memory_space<hbm>>
        %dma_start3A_39 = tpu.memref_slice %arg3[%add3A_32] : memref<323584xi32, #tpu.memory_space<hbm>> -> memref<128xi32, #tpu.memory_space<hbm>>
        tpu.enqueue_dma source(%dma_start3A_39 : memref<128xi32, #tpu.memory_space<hbm>>) target(%arg6 : memref<128xi32, #tpu.memory_space<vmem>>) target_semaphore(%run_scoped3A : memref<!tpu.dma_semaphore, #tpu.memory_space<semaphore_mem>>)
        %dma_wait3A_40 = tpu.memref_slice %arg3[%add3A_32] : memref<323584xi32, #tpu.memory_space<hbm>> -> memref<128xi32, #tpu.memory_space<hbm>>
        %dma_wait3A_41 = tpu.memref_slice %arg3[%add3A_32] : memref<323584xi32, #tpu.memory_space<hbm>> -> memref<128xi32, #tpu.memory_space<hbm>>
        tpu.wait_dma2 semaphore(%run_scoped3A : memref<!tpu.dma_semaphore, #tpu.memory_space<semaphore_mem>>) src(%dma_wait3A_41 : memref<128xi32, #tpu.memory_space<hbm>>) dst(%arg6 : memref<128xi32, #tpu.memory_space<vmem>>)
        tpu.yield
      }) : () -> ()
      "tpu.region"() ({
        %run_scoped3A = tpu.sem_alloc : memref<!tpu.dma_semaphore, #tpu.memory_space<semaphore_mem>>
        %dma_start3A_38 = tpu.memref_slice %arg4[%add3A_32] : memref<323584xi32, #tpu.memory_space<hbm>> -> memref<128xi32, #tpu.memory_space<hbm>>
        %dma_start3A_39 = tpu.memref_slice %arg4[%add3A_32] : memref<323584xi32, #tpu.memory_space<hbm>> -> memref<128xi32, #tpu.memory_space<hbm>>
        tpu.enqueue_dma source(%dma_start3A_39 : memref<128xi32, #tpu.memory_space<hbm>>) target(%arg7 : memref<128xi32, #tpu.memory_space<vmem>>) target_semaphore(%run_scoped3A : memref<!tpu.dma_semaphore, #tpu.memory_space<semaphore_mem>>)
        %dma_wait3A_40 = tpu.memref_slice %arg4[%add3A_32] : memref<323584xi32, #tpu.memory_space<hbm>> -> memref<128xi32, #tpu.memory_space<hbm>>
        %dma_wait3A_41 = tpu.memref_slice %arg4[%add3A_32] : memref<323584xi32, #tpu.memory_space<hbm>> -> memref<128xi32, #tpu.memory_space<hbm>>
        tpu.wait_dma2 semaphore(%run_scoped3A : memref<!tpu.dma_semaphore, #tpu.memory_space<semaphore_mem>>) src(%dma_wait3A_41 : memref<128xi32, #tpu.memory_space<hbm>>) dst(%arg7 : memref<128xi32, #tpu.memory_space<vmem>>)
        tpu.yield
      }) : () -> ()
      %dma_start3A = arith.constant 0 : i32
      %dma_start3A_33 = arith.constant 0 : i32
      %dma_start3A_34 = tpu.memref_slice %arg2[%dma_start3A, %dma_start3A_33] : memref<10240x128xf32, #tpu.memory_space<hbm>> -> memref<10240x128xf32, #tpu.memory_space<hbm>>
      tpu.enqueue_indirect_dma source(%dma_start3A_34 : memref<10240x128xf32, #tpu.memory_space<hbm>>) target(%arg8 : memref<128x128xf32, #tpu.memory_space<vmem>>) offsets(%arg6 : memref<128xi32, #tpu.memory_space<vmem>>) semaphore(%arg11 : memref<!tpu.dma_semaphore, #tpu.memory_space<semaphore_mem>>)
      %dma_wait3A = arith.constant 0 : i32
      %dma_wait3A_35 = arith.constant 0 : i32
      %dma_wait3A_36 = tpu.memref_slice %arg2[%dma_wait3A, %dma_wait3A_35] : memref<10240x128xf32, #tpu.memory_space<hbm>> -> memref<10240x128xf32, #tpu.memory_space<hbm>>
      tpu.wait_indirect_dma semaphore(%arg11 : memref<!tpu.dma_semaphore, #tpu.memory_space<semaphore_mem>>) src(%dma_wait3A_36 : memref<10240x128xf32, #tpu.memory_space<hbm>>) dst(%arg8 : memref<128x128xf32, #tpu.memory_space<vmem>>)
      "tpu.region"() ({
        %run_scoped3A = tpu.sem_alloc : memref<!tpu.dma_semaphore, #tpu.memory_space<semaphore_mem>>
        %dma_start3A_38 = arith.constant 0 : i32
        %dma_start3A_39 = arith.constant 0 : i32
        %dma_start3A_40 = tpu.memref_slice %arg10[%dma_start3A_38, %dma_start3A_39] : memref<10240x128xf32, #tpu.memory_space<vmem_shared>> -> memref<10240x128xf32, #tpu.memory_space<vmem_shared>>
        tpu.enqueue_indirect_dma source(%arg8 : memref<128x128xf32, #tpu.memory_space<vmem>>) target(%dma_start3A_40 : memref<10240x128xf32, #tpu.memory_space<vmem_shared>>) offsets(%arg7 : memref<128xi32, #tpu.memory_space<vmem>>) semaphore(%run_scoped3A : memref<!tpu.dma_semaphore, #tpu.memory_space<semaphore_mem>>) {add = true}
        %dma_wait3A_41 = arith.constant 0 : i32
        %dma_wait3A_42 = arith.constant 0 : i32
        %dma_wait3A_43 = tpu.memref_slice %arg10[%dma_wait3A_41, %dma_wait3A_42] : memref<10240x128xf32, #tpu.memory_space<vmem_shared>> -> memref<10240x128xf32, #tpu.memory_space<vmem_shared>>
        tpu.wait_indirect_dma semaphore(%run_scoped3A : memref<!tpu.dma_semaphore, #tpu.memory_space<semaphore_mem>>) src(%arg8 : memref<128x128xf32, #tpu.memory_space<vmem>>) dst(%dma_wait3A_43 : memref<10240x128xf32, #tpu.memory_space<vmem_shared>>)
        tpu.yield
      }) : () -> ()
      %scan3A_37 = arith.constant 0 : i32
      scf.yield %scan3A_37 : i32
    }
    %scan3A_20 = arith.constant 79 : i32
    %barrier3A_21 = arith.constant 0 : index
    tpu.barrier barrier_id(%barrier3A_21)
    %mul3A_22 = arith.constant 640 : i32
    %mul3A_23 = arith.muli %arg1, %mul3A_22 : i32
    %mul3A_24 = arith.constant 640 : i32
    %mul3A_25 = arith.muli %arg1, %mul3A_24 : i32
    "tpu.region"() ({
      %run_scoped3A = tpu.sem_alloc : memref<!tpu.dma_semaphore, #tpu.memory_space<semaphore_mem>>
      %dma_start3A = arith.constant 0 : i32
      %dma_start3A_26 = tpu.memref_slice %arg5[%arg0, %mul3A_25, %dma_start3A] : memref<2x10240x128xf32, #tpu.memory_space<hbm>> -> memref<1x640x128xf32, #tpu.memory_space<hbm>>
      %dma_start3A_27 = tpu.memref_squeeze %dma_start3A_26 : memref<1x640x128xf32, #tpu.memory_space<hbm>> -> memref<640x128xf32, #tpu.memory_space<hbm>>
      %dma_start3A_28 = arith.constant 0 : i32
      %dma_start3A_29 = tpu.memref_slice %arg10[%mul3A_23, %dma_start3A_28] : memref<10240x128xf32, #tpu.memory_space<vmem_shared>> -> memref<640x128xf32, #tpu.memory_space<vmem_shared>>
      tpu.enqueue_dma source(%dma_start3A_29 : memref<640x128xf32, #tpu.memory_space<vmem_shared>>) target(%dma_start3A_27 : memref<640x128xf32, #tpu.memory_space<hbm>>) target_semaphore(%run_scoped3A : memref<!tpu.dma_semaphore, #tpu.memory_space<semaphore_mem>>)
      %dma_wait3A = arith.constant 0 : i32
      %dma_wait3A_30 = tpu.memref_slice %arg5[%arg0, %mul3A_25, %dma_wait3A] : memref<2x10240x128xf32, #tpu.memory_space<hbm>> -> memref<1x640x128xf32, #tpu.memory_space<hbm>>
      %dma_wait3A_31 = tpu.memref_squeeze %dma_wait3A_30 : memref<1x640x128xf32, #tpu.memory_space<hbm>> -> memref<640x128xf32, #tpu.memory_space<hbm>>
      %dma_wait3A_32 = arith.constant 0 : i32
      %dma_wait3A_33 = tpu.memref_slice %arg10[%mul3A_23, %dma_wait3A_32] : memref<10240x128xf32, #tpu.memory_space<vmem_shared>> -> memref<640x128xf32, #tpu.memory_space<vmem_shared>>
      tpu.wait_dma2 semaphore(%run_scoped3A : memref<!tpu.dma_semaphore, #tpu.memory_space<semaphore_mem>>) src(%dma_wait3A_33 : memref<640x128xf32, #tpu.memory_space<vmem_shared>>) dst(%dma_wait3A_31 : memref<640x128xf32, #tpu.memory_space<hbm>>)
      tpu.yield
    }) : () -> ()
    return
  }
}

#map = affine_map<(d0, d1) -> (0, 0)>
#map1 = affine_map<(d0, d1) -> (0)>
#map2 = affine_map<(d0, d1) -> (0, 0, 0)>
module attributes {stable_mosaic.version = 14 : i64} {
  func.func @k(%arg0: i32, %arg1: i32, %arg2: memref<10240x128xf32, #tpu.memory_space<hbm>>, %arg3: memref<323584xi32, #tpu.memory_space<hbm>>, %arg4: memref<323584xi32, #tpu.memory_space<hbm>>, %arg5: memref<2x10240x128xf32, #tpu.memory_space<hbm>>, %arg6: memref<128xi32, #tpu.memory_space<vmem>>, %arg7: memref<128xi32, #tpu.memory_space<vmem>>, %arg8: memref<128x128xf32, #tpu.memory_space<vmem>>, %arg9: memref<128x128xf32, #tpu.memory_space<vmem>>, %arg10: memref<10240x128xf32, #tpu.memory_space<vmem_shared>>, %arg11: memref<!tpu.dma_semaphore, #tpu.memory_space<semaphore_mem>>) attributes {dimension_semantics = [#tpu.dimension_semantics<core_parallel>, #tpu.dimension_semantics<subcore_parallel>], iteration_bounds = array<i64: 2, 16>, scalar_prefetch = 0 : i64, scratch_operands = 6 : i64, tpu.core_type = #tpu.core_type<sc_vector_subcore>, window_params = [{transform_indices = #map}, {transform_indices = #map1}, {transform_indices = #map1}, {transform_indices = #map2}]} {
    %mul3A = arith.constant 16 : i32
    %mul3A_0 = arith.muli %arg0, %mul3A : i32
    %add3A = arith.addi %mul3A_0, %arg1 : i32
    %scan3A = arith.constant 0 : i32
    %scan3A_1 = arith.constant 0 : i32
    %scan3A_2 = arith.constant 128 : i32
    %scan3A_3 = arith.addi %scan3A_1, %scan3A_2 : i32
    %scan3A_4 = arith.constant 1 : i32
    %scan3A_5 = scf.for %scan3A_26 = %scan3A_1 to %scan3A_3 step %scan3A_4 iter_args(%scan3A_27 = %scan3A) -> (i32)  : i32 {
      %broadcast_in_dim3A = arith.constant 0.000000e+00 : f32
      %broadcast_in_dim3A_28 = vector.broadcast %broadcast_in_dim3A : f32 to vector<16xf32>
      %swap3A = arith.index_cast %scan3A_26 : i32 to index
      %swap3A_29 = arith.constant 0 : index
      %swap3A_30 = tpu.vector_load %arg9[%swap3A, %swap3A_29] {strides = array<i32>} : memref<128x128xf32, #tpu.memory_space<vmem>>, vector<1x16xf32>,
      %swap3A_31 = vector.shape_cast %swap3A_30 : vector<1x16xf32> to vector<16xf32>
      %swap3A_32 = vector.shape_cast %broadcast_in_dim3A_28 : vector<16xf32> to vector<1x16xf32>
      tpu.vector_store %arg9[%swap3A, %swap3A_29], %swap3A_32 {strides = array<i32>} : memref<128x128xf32, #tpu.memory_space<vmem>>, vector<1x16xf32>,
      %broadcast_in_dim3A_33 = arith.constant 0.000000e+00 : f32
      %broadcast_in_dim3A_34 = vector.broadcast %broadcast_in_dim3A_33 : f32 to vector<16xf32>
      %swap3A_35 = arith.index_cast %scan3A_26 : i32 to index
      %swap3A_36 = arith.constant 16 : index
      %swap3A_37 = tpu.vector_load %arg9[%swap3A_35, %swap3A_36] {strides = array<i32>} : memref<128x128xf32, #tpu.memory_space<vmem>>, vector<1x16xf32>,
      %swap3A_38 = vector.shape_cast %swap3A_37 : vector<1x16xf32> to vector<16xf32>
      %swap3A_39 = vector.shape_cast %broadcast_in_dim3A_34 : vector<16xf32> to vector<1x16xf32>
      tpu.vector_store %arg9[%swap3A_35, %swap3A_36], %swap3A_39 {strides = array<i32>} : memref<128x128xf32, #tpu.memory_space<vmem>>, vector<1x16xf32>,
      %broadcast_in_dim3A_40 = arith.constant 0.000000e+00 : f32
      %broadcast_in_dim3A_41 = vector.broadcast %broadcast_in_dim3A_40 : f32 to vector<16xf32>
      %swap3A_42 = arith.index_cast %scan3A_26 : i32 to index
      %swap3A_43 = arith.constant 32 : index
      %swap3A_44 = tpu.vector_load %arg9[%swap3A_42, %swap3A_43] {strides = array<i32>} : memref<128x128xf32, #tpu.memory_space<vmem>>, vector<1x16xf32>,
      %swap3A_45 = vector.shape_cast %swap3A_44 : vector<1x16xf32> to vector<16xf32>
      %swap3A_46 = vector.shape_cast %broadcast_in_dim3A_41 : vector<16xf32> to vector<1x16xf32>
      tpu.vector_store %arg9[%swap3A_42, %swap3A_43], %swap3A_46 {strides = array<i32>} : memref<128x128xf32, #tpu.memory_space<vmem>>, vector<1x16xf32>,
      %broadcast_in_dim3A_47 = arith.constant 0.000000e+00 : f32
      %broadcast_in_dim3A_48 = vector.broadcast %broadcast_in_dim3A_47 : f32 to vector<16xf32>
      %swap3A_49 = arith.index_cast %scan3A_26 : i32 to index
      %swap3A_50 = arith.constant 48 : index
      %swap3A_51 = tpu.vector_load %arg9[%swap3A_49, %swap3A_50] {strides = array<i32>} : memref<128x128xf32, #tpu.memory_space<vmem>>, vector<1x16xf32>,
      %swap3A_52 = vector.shape_cast %swap3A_51 : vector<1x16xf32> to vector<16xf32>
      %swap3A_53 = vector.shape_cast %broadcast_in_dim3A_48 : vector<16xf32> to vector<1x16xf32>
      tpu.vector_store %arg9[%swap3A_49, %swap3A_50], %swap3A_53 {strides = array<i32>} : memref<128x128xf32, #tpu.memory_space<vmem>>, vector<1x16xf32>,
      %broadcast_in_dim3A_54 = arith.constant 0.000000e+00 : f32
      %broadcast_in_dim3A_55 = vector.broadcast %broadcast_in_dim3A_54 : f32 to vector<16xf32>
      %swap3A_56 = arith.index_cast %scan3A_26 : i32 to index
      %swap3A_57 = arith.constant 64 : index
      %swap3A_58 = tpu.vector_load %arg9[%swap3A_56, %swap3A_57] {strides = array<i32>} : memref<128x128xf32, #tpu.memory_space<vmem>>, vector<1x16xf32>,
      %swap3A_59 = vector.shape_cast %swap3A_58 : vector<1x16xf32> to vector<16xf32>
      %swap3A_60 = vector.shape_cast %broadcast_in_dim3A_55 : vector<16xf32> to vector<1x16xf32>
      tpu.vector_store %arg9[%swap3A_56, %swap3A_57], %swap3A_60 {strides = array<i32>} : memref<128x128xf32, #tpu.memory_space<vmem>>, vector<1x16xf32>,
      %broadcast_in_dim3A_61 = arith.constant 0.000000e+00 : f32
      %broadcast_in_dim3A_62 = vector.broadcast %broadcast_in_dim3A_61 : f32 to vector<16xf32>
      %swap3A_63 = arith.index_cast %scan3A_26 : i32 to index
      %swap3A_64 = arith.constant 80 : index
      %swap3A_65 = tpu.vector_load %arg9[%swap3A_63, %swap3A_64] {strides = array<i32>} : memref<128x128xf32, #tpu.memory_space<vmem>>, vector<1x16xf32>,
      %swap3A_66 = vector.shape_cast %swap3A_65 : vector<1x16xf32> to vector<16xf32>
      %swap3A_67 = vector.shape_cast %broadcast_in_dim3A_62 : vector<16xf32> to vector<1x16xf32>
      tpu.vector_store %arg9[%swap3A_63, %swap3A_64], %swap3A_67 {strides = array<i32>} : memref<128x128xf32, #tpu.memory_space<vmem>>, vector<1x16xf32>,
      %broadcast_in_dim3A_68 = arith.constant 0.000000e+00 : f32
      %broadcast_in_dim3A_69 = vector.broadcast %broadcast_in_dim3A_68 : f32 to vector<16xf32>
      %swap3A_70 = arith.index_cast %scan3A_26 : i32 to index
      %swap3A_71 = arith.constant 96 : index
      %swap3A_72 = tpu.vector_load %arg9[%swap3A_70, %swap3A_71] {strides = array<i32>} : memref<128x128xf32, #tpu.memory_space<vmem>>, vector<1x16xf32>,
      %swap3A_73 = vector.shape_cast %swap3A_72 : vector<1x16xf32> to vector<16xf32>
      %swap3A_74 = vector.shape_cast %broadcast_in_dim3A_69 : vector<16xf32> to vector<1x16xf32>
      tpu.vector_store %arg9[%swap3A_70, %swap3A_71], %swap3A_74 {strides = array<i32>} : memref<128x128xf32, #tpu.memory_space<vmem>>, vector<1x16xf32>,
      %broadcast_in_dim3A_75 = arith.constant 0.000000e+00 : f32
      %broadcast_in_dim3A_76 = vector.broadcast %broadcast_in_dim3A_75 : f32 to vector<16xf32>
      %swap3A_77 = arith.index_cast %scan3A_26 : i32 to index
      %swap3A_78 = arith.constant 112 : index
      %swap3A_79 = tpu.vector_load %arg9[%swap3A_77, %swap3A_78] {strides = array<i32>} : memref<128x128xf32, #tpu.memory_space<vmem>>, vector<1x16xf32>,
      %swap3A_80 = vector.shape_cast %swap3A_79 : vector<1x16xf32> to vector<16xf32>
      %swap3A_81 = vector.shape_cast %broadcast_in_dim3A_76 : vector<16xf32> to vector<1x16xf32>
      tpu.vector_store %arg9[%swap3A_77, %swap3A_78], %swap3A_81 {strides = array<i32>} : memref<128x128xf32, #tpu.memory_space<vmem>>, vector<1x16xf32>,
      %scan3A_82 = arith.constant 0 : i32
      scf.yield %scan3A_82 : i32
    }
    %scan3A_6 = arith.constant 128 : i32
    %scan3A_7 = arith.constant 0 : i32
    %scan3A_8 = arith.constant 0 : i32
    %scan3A_9 = arith.constant 5 : i32
    %scan3A_10 = arith.addi %scan3A_8, %scan3A_9 : i32
    %scan3A_11 = arith.constant 1 : i32
    %scan3A_12 = scf.for %scan3A_26 = %scan3A_8 to %scan3A_10 step %scan3A_11 iter_args(%scan3A_27 = %scan3A_7) -> (i32)  : i32 {
      %mul3A_28 = arith.constant 640 : i32
      %mul3A_29 = arith.muli %arg1, %mul3A_28 : i32
      %mul3A_30 = arith.constant 128 : i32
      %mul3A_31 = arith.muli %scan3A_26, %mul3A_30 : i32
      %add3A_32 = arith.addi %mul3A_29, %mul3A_31 : i32
      "tpu.region"() ({
        %run_scoped3A = tpu.sem_alloc : memref<!tpu.dma_semaphore, #tpu.memory_space<semaphore_mem>>
        %dma_start3A = arith.constant 0 : i32
        %dma_start3A_34 = tpu.memref_slice %arg10[%add3A_32, %dma_start3A] : memref<10240x128xf32, #tpu.memory_space<vmem_shared>> -> memref<128x128xf32, #tpu.memory_space<vmem_shared>>
        %dma_start3A_35 = arith.constant 0 : i32
        %dma_start3A_36 = tpu.memref_slice %arg10[%add3A_32, %dma_start3A_35] : memref<10240x128xf32, #tpu.memory_space<vmem_shared>> -> memref<128x128xf32, #tpu.memory_space<vmem_shared>>
        tpu.enqueue_dma source(%arg9 : memref<128x128xf32, #tpu.memory_space<vmem>>) target(%dma_start3A_36 : memref<128x128xf32, #tpu.memory_space<vmem_shared>>) target_semaphore(%run_scoped3A : memref<!tpu.dma_semaphore, #tpu.memory_space<semaphore_mem>>)
        %dma_wait3A = arith.constant 0 : i32
        %dma_wait3A_37 = tpu.memref_slice %arg10[%add3A_32, %dma_wait3A] : memref<10240x128xf32, #tpu.memory_space<vmem_shared>> -> memref<128x128xf32, #tpu.memory_space<vmem_shared>>
        %dma_wait3A_38 = arith.constant 0 : i32
        %dma_wait3A_39 = tpu.memref_slice %arg10[%add3A_32, %dma_wait3A_38] : memref<10240x128xf32, #tpu.memory_space<vmem_shared>> -> memref<128x128xf32, #tpu.memory_space<vmem_shared>>
        tpu.wait_dma2 semaphore(%run_scoped3A : memref<!tpu.dma_semaphore, #tpu.memory_space<semaphore_mem>>) src(%arg9 : memref<128x128xf32, #tpu.memory_space<vmem>>) dst(%dma_wait3A_39 : memref<128x128xf32, #tpu.memory_space<vmem_shared>>)
        tpu.yield
      }) : () -> ()
      %scan3A_33 = arith.constant 0 : i32
      scf.yield %scan3A_33 : i32
    }
    %scan3A_13 = arith.constant 5 : i32
    %barrier3A = arith.constant 0 : index
    tpu.barrier barrier_id(%barrier3A)
    %scan3A_14 = arith.constant 0 : i32
    %scan3A_15 = arith.constant 0 : i32
    %scan3A_16 = arith.constant 79 : i32
    %scan3A_17 = arith.addi %scan3A_15, %scan3A_16 : i32
    %scan3A_18 = arith.constant 1 : i32
    %scan3A_19 = scf.for %scan3A_26 = %scan3A_15 to %scan3A_17 step %scan3A_18 iter_args(%scan3A_27 = %scan3A_14) -> (i32)  : i32 {
      %mul3A_28 = arith.constant 10112 : i32
      %mul3A_29 = arith.muli %add3A, %mul3A_28 : i32
      %mul3A_30 = arith.constant 128 : i32
      %mul3A_31 = arith.muli %scan3A_26, %mul3A_30 : i32
      %add3A_32 = arith.addi %mul3A_29, %mul3A_31 : i32
      "tpu.region"() ({
        %run_scoped3A = tpu.sem_alloc : memref<!tpu.dma_semaphore, #tpu.memory_space<semaphore_mem>>
        %dma_start3A_38 = tpu.memref_slice %arg3[%add3A_32] : memref<323584xi32, #tpu.memory_space<hbm>> -> memref<128xi32, #tpu.memory_space<hbm>>
        %dma_start3A_39 = tpu.memref_slice %arg3[%add3A_32] : memref<323584xi32, #tpu.memory_space<hbm>> -> memref<128xi32, #tpu.memory_space<hbm>>
        tpu.enqueue_dma source(%dma_start3A_39 : memref<128xi32, #tpu.memory_space<hbm>>) target(%arg6 : memref<128xi32, #tpu.memory_space<vmem>>) target_semaphore(%run_scoped3A : memref<!tpu.dma_semaphore, #tpu.memory_space<semaphore_mem>>)
        %dma_wait3A_40 = tpu.memref_slice %arg3[%add3A_32] : memref<323584xi32, #tpu.memory_space<hbm>> -> memref<128xi32, #tpu.memory_space<hbm>>
        %dma_wait3A_41 = tpu.memref_slice %arg3[%add3A_32] : memref<323584xi32, #tpu.memory_space<hbm>> -> memref<128xi32, #tpu.memory_space<hbm>>
        tpu.wait_dma2 semaphore(%run_scoped3A : memref<!tpu.dma_semaphore, #tpu.memory_space<semaphore_mem>>) src(%dma_wait3A_41 : memref<128xi32, #tpu.memory_space<hbm>>) dst(%arg6 : memref<128xi32, #tpu.memory_space<vmem>>)
        tpu.yield
      }) : () -> ()
      "tpu.region"() ({
        %run_scoped3A = tpu.sem_alloc : memref<!tpu.dma_semaphore, #tpu.memory_space<semaphore_mem>>
        %dma_start3A_38 = tpu.memref_slice %arg4[%add3A_32] : memref<323584xi32, #tpu.memory_space<hbm>> -> memref<128xi32, #tpu.memory_space<hbm>>
        %dma_start3A_39 = tpu.memref_slice %arg4[%add3A_32] : memref<323584xi32, #tpu.memory_space<hbm>> -> memref<128xi32, #tpu.memory_space<hbm>>
        tpu.enqueue_dma source(%dma_start3A_39 : memref<128xi32, #tpu.memory_space<hbm>>) target(%arg7 : memref<128xi32, #tpu.memory_space<vmem>>) target_semaphore(%run_scoped3A : memref<!tpu.dma_semaphore, #tpu.memory_space<semaphore_mem>>)
        %dma_wait3A_40 = tpu.memref_slice %arg4[%add3A_32] : memref<323584xi32, #tpu.memory_space<hbm>> -> memref<128xi32, #tpu.memory_space<hbm>>
        %dma_wait3A_41 = tpu.memref_slice %arg4[%add3A_32] : memref<323584xi32, #tpu.memory_space<hbm>> -> memref<128xi32, #tpu.memory_space<hbm>>
        tpu.wait_dma2 semaphore(%run_scoped3A : memref<!tpu.dma_semaphore, #tpu.memory_space<semaphore_mem>>) src(%dma_wait3A_41 : memref<128xi32, #tpu.memory_space<hbm>>) dst(%arg7 : memref<128xi32, #tpu.memory_space<vmem>>)
        tpu.yield
      }) : () -> ()
      %dma_start3A = arith.constant 0 : i32
      %dma_start3A_33 = arith.constant 0 : i32
      %dma_start3A_34 = tpu.memref_slice %arg2[%dma_start3A, %dma_start3A_33] : memref<10240x128xf32, #tpu.memory_space<hbm>> -> memref<10240x128xf32, #tpu.memory_space<hbm>>
      tpu.enqueue_indirect_dma source(%dma_start3A_34 : memref<10240x128xf32, #tpu.memory_space<hbm>>) target(%arg8 : memref<128x128xf32, #tpu.memory_space<vmem>>) offsets(%arg6 : memref<128xi32, #tpu.memory_space<vmem>>) semaphore(%arg11 : memref<!tpu.dma_semaphore, #tpu.memory_space<semaphore_mem>>)
      %dma_wait3A = arith.constant 0 : i32
      %dma_wait3A_35 = arith.constant 0 : i32
      %dma_wait3A_36 = tpu.memref_slice %arg2[%dma_wait3A, %dma_wait3A_35] : memref<10240x128xf32, #tpu.memory_space<hbm>> -> memref<10240x128xf32, #tpu.memory_space<hbm>>
      tpu.wait_indirect_dma semaphore(%arg11 : memref<!tpu.dma_semaphore, #tpu.memory_space<semaphore_mem>>) src(%dma_wait3A_36 : memref<10240x128xf32, #tpu.memory_space<hbm>>) dst(%arg8 : memref<128x128xf32, #tpu.memory_space<vmem>>)
      "tpu.region"() ({
        %run_scoped3A = tpu.sem_alloc : memref<!tpu.dma_semaphore, #tpu.memory_space<semaphore_mem>>
        %dma_start3A_38 = arith.constant 0 : i32
        %dma_start3A_39 = arith.constant 0 : i32
        %dma_start3A_40 = tpu.memref_slice %arg10[%dma_start3A_38, %dma_start3A_39] : memref<10240x128xf32, #tpu.memory_space<vmem_shared>> -> memref<10240x128xf32, #tpu.memory_space<vmem_shared>>
        tpu.enqueue_indirect_dma source(%arg8 : memref<128x128xf32, #tpu.memory_space<vmem>>) target(%dma_start3A_40 : memref<10240x128xf32, #tpu.memory_space<vmem_shared>>) offsets(%arg7 : memref<128xi32, #tpu.memory_space<vmem>>) semaphore(%run_scoped3A : memref<!tpu.dma_semaphore, #tpu.memory_space<semaphore_mem>>) {add = true}
        %dma_wait3A_41 = arith.constant 0 : i32
        %dma_wait3A_42 = arith.constant 0 : i32
        %dma_wait3A_43 = tpu.memref_slice %arg10[%dma_wait3A_41, %dma_wait3A_42] : memref<10240x128xf32, #tpu.memory_space<vmem_shared>> -> memref<10240x128xf32, #tpu.memory_space<vmem_shared>>
        tpu.wait_indirect_dma semaphore(%run_scoped3A : memref<!tpu.dma_semaphore, #tpu.memory_space<semaphore_mem>>) src(%arg8 : memref<128x128xf32, #tpu.memory_space<vmem>>) dst(%dma_wait3A_43 : memref<10240x128xf32, #tpu.memory_space<vmem_shared>>)
        tpu.yield
      }) : () -> ()
      %scan3A_37 = arith.constant 0 : i32
      scf.yield %scan3A_37 : i32
    }
    %scan3A_20 = arith.constant 79 : i32
    %barrier3A_21 = arith.constant 0 : index
    tpu.barrier barrier_id(%barrier3A_21)
    %mul3A_22 = arith.constant 640 : i32
    %mul3A_23 = arith.muli %arg1, %mul3A_22 : i32
    %mul3A_24 = arith.constant 640 : i32
    %mul3A_25 = arith.muli %arg1, %mul3A_24 : i32
    "tpu.region"() ({
      %run_scoped3A = tpu.sem_alloc : memref<!tpu.dma_semaphore, #tpu.memory_space<semaphore_mem>>
      %dma_start3A = arith.constant 0 : i32
      %dma_start3A_26 = tpu.memref_slice %arg5[%arg0, %mul3A_25, %dma_start3A] : memref<2x10240x128xf32, #tpu.memory_space<hbm>> -> memref<1x640x128xf32, #tpu.memory_space<hbm>>
      %dma_start3A_27 = tpu.memref_squeeze %dma_start3A_26 : memref<1x640x128xf32, #tpu.memory_space<hbm>> -> memref<640x128xf32, #tpu.memory_space<hbm>>
      %dma_start3A_28 = arith.constant 0 : i32
      %dma_start3A_29 = tpu.memref_slice %arg10[%mul3A_23, %dma_start3A_28] : memref<10240x128xf32, #tpu.memory_space<vmem_shared>> -> memref<640x128xf32, #tpu.memory_space<vmem_shared>>
      tpu.enqueue_dma source(%dma_start3A_29 : memref<640x128xf32, #tpu.memory_space<vmem_shared>>) target(%dma_start3A_27 : memref<640x128xf32, #tpu.memory_space<hbm>>) target_semaphore(%run_scoped3A : memref<!tpu.dma_semaphore, #tpu.memory_space<semaphore_mem>>)
      %dma_wait3A = arith.constant 0 : i32
      %dma_wait3A_30 = tpu.memref_slice %arg5[%arg0, %mul3A_25, %dma_wait3A] : memref<2x10240x128xf32, #tpu.memory_space<hbm>> -> memref<1x640x128xf32, #tpu.memory_space<hbm>>
      %dma_wait3A_31 = tpu.memref_squeeze %dma_wait3A_30 : memref<1x640x128xf32, #tpu.memory_space<hbm>> -> memref<640x128xf32, #tpu.memory_space<hbm>>
      %dma_wait3A_32 = arith.constant 0 : i32
      %dma_wait3A_33 = tpu.memref_slice %arg10[%mul3A_23, %dma_wait3A_32] : memref<10240x128xf32, #tpu.memory_space<vmem_shared>> -> memref<640x128xf32, #tpu.memory_space<vmem_shared>>
      tpu.wait_dma2 semaphore(%run_scoped3A : memref<!tpu.dma_semaphore, #tpu.memory_space<semaphore_mem>>) src(%dma_wait3A_33 : memref<640x128xf32, #tpu.memory_space<vmem_shared>>) dst(%dma_wait3A_31 : memref<640x128xf32, #tpu.memory_space<hbm>>)
      tpu.yield
    }) : () -> ()
    return
  }
}

module attributes {stable_mosaic.version = 14 : i64} {
  func.func @body(%arg0: i32, %arg1: memref<1024x128xf32, #tpu.memory_space<vmem>>, %arg2: memref<128x128xf32, #tpu.memory_space<vmem>>, %arg3: memref<1024x1xf32, #tpu.memory_space<vmem>>, %arg4: memref<1024x128xf32, #tpu.memory_space<vmem>>, %arg5: memref<1024x1xf32, #tpu.memory_space<vmem>>) attributes {dimension_semantics = [#tpu.dimension_semantics<arbitrary>], iteration_bounds = array<i64: 10>, scalar_prefetch = 0 : i64, scratch_operands = 0 : i64, tpu.core_type = #tpu.core_type<tc>, window_params = [{transform_indices = @transform_0, window_bounds = array<i64: 1024, 128>}, {pipeline_mode = #tpu.pipeline_mode<synchronous>, transform_indices = @transform_1, window_bounds = array<i64: 128, 128>}, {transform_indices = @transform_2, window_bounds = array<i64: 1024, 1>}, {transform_indices = @transform_3, window_bounds = array<i64: 1024, 128>}, {transform_indices = @transform_4, window_bounds = array<i64: 1024, 1>}]} {
    %get3A = arith.constant 0 : index
    %get3A_0 = arith.constant 0 : index
    %get3A_1 = vector.load %arg3[%get3A, %get3A_0] : memref<1024x1xf32, #tpu.memory_space<vmem>>, vector<1024x1xf32>
    %add3A = arith.constant 1.000000e+00 : f32
    %add3A_2 = vector.broadcast %add3A : f32 to vector<1024x1xf32>
    %add3A_3 = arith.addf %get3A_1, %add3A_2 : vector<1024x1xf32>
    %rsqrt3A = math.rsqrt %add3A_3 : vector<1024x1xf32>
    %swap3A = arith.constant 0 : index
    %swap3A_4 = arith.constant 0 : index
    %swap3A_5 = vector.load %arg5[%swap3A, %swap3A_4] : memref<1024x1xf32, #tpu.memory_space<vmem>>, vector<1024x1xf32>
    tpu.vector_store %arg5[%swap3A, %swap3A_4], %rsqrt3A {strides = array<i32>} : memref<1024x1xf32, #tpu.memory_space<vmem>>, vector<1024x1xf32>,
    %get3A_6 = arith.constant 0 : index
    %get3A_7 = arith.constant 0 : index
    %get3A_8 = vector.load %arg1[%get3A_6, %get3A_7] : memref<1024x128xf32, #tpu.memory_space<vmem>>, vector<1024x128xf32>
    %get3A_9 = arith.constant 0 : index
    %get3A_10 = arith.constant 0 : index
    %get3A_11 = vector.load %arg2[%get3A_9, %get3A_10] : memref<128x128xf32, #tpu.memory_space<vmem>>, vector<128x128xf32>
    %dot_general3A = arith.constant dense<0.000000e+00> : vector<1024x128xf32>
    %dot_general3A_12 = tpu.matmul %get3A_8, %get3A_11, %dot_general3A {dimension_numbers = #tpu.dot_dimension_numbers<[1], [0], [0], [1], [0, 0, 1, 1], [], []>, transpose_lhs_hint = false} : vector<1024x128xf32>, vector<128x128xf32>, vector<1024x128xf32> -> vector<1024x128xf32>
    %mul3A = vector.broadcast %rsqrt3A : vector<1024x1xf32> to vector<1024x128xf32>
    %mul3A_13 = arith.mulf %dot_general3A_12, %mul3A : vector<1024x128xf32>
    %swap3A_14 = arith.constant 0 : index
    %swap3A_15 = arith.constant 0 : index
    %swap3A_16 = vector.load %arg4[%swap3A_14, %swap3A_15] : memref<1024x128xf32, #tpu.memory_space<vmem>>, vector<1024x128xf32>
    tpu.vector_store %arg4[%swap3A_14, %swap3A_15], %mul3A_13 {strides = array<i32>} : memref<1024x128xf32, #tpu.memory_space<vmem>>, vector<1024x128xf32>,
    return
  }
  func.func @transform_0(%arg0: i32) -> (i32, i32) {
    %c0_i32 = arith.constant 0 : i32
    %c0_i32_0 = arith.constant 0 : i32
    return %arg0, %c0_i32 : i32, i32
  }
  func.func @transform_1(%arg0: i32) -> (i32, i32) {
    %c0_i32 = arith.constant 0 : i32
    %c0_i32_0 = arith.constant 0 : i32
    %c0_i32_1 = arith.constant 0 : i32
    return %c0_i32, %c0_i32_0 : i32, i32
  }
  func.func @transform_2(%arg0: i32) -> (i32, i32) {
    %c0_i32 = arith.constant 0 : i32
    %c0_i32_0 = arith.constant 0 : i32
    return %arg0, %c0_i32 : i32, i32
  }
  func.func @transform_3(%arg0: i32) -> (i32, i32) {
    %c0_i32 = arith.constant 0 : i32
    %c0_i32_0 = arith.constant 0 : i32
    return %arg0, %c0_i32 : i32, i32
  }
  func.func @transform_4(%arg0: i32) -> (i32, i32) {
    %c0_i32 = arith.constant 0 : i32
    %c0_i32_0 = arith.constant 0 : i32
    return %arg0, %c0_i32 : i32, i32
  }
}

module attributes {stable_mosaic.version = 14 : i64} {
  func.func @body(%arg0: i32, %arg1: memref<1024x128xf32, #tpu.memory_space<vmem>>, %arg2: memref<1024x128xf32, #tpu.memory_space<vmem>>, %arg3: memref<1024x128xf32, #tpu.memory_space<vmem>>, %arg4: memref<1024x1xf32, #tpu.memory_space<vmem>>, %arg5: memref<1x128xf32, #tpu.memory_space<vmem>>, %arg6: memref<128x128xf32, #tpu.memory_space<vmem>>, %arg7: memref<1024x128xf32, #tpu.memory_space<vmem>>) attributes {dimension_semantics = [#tpu.dimension_semantics<arbitrary>], iteration_bounds = array<i64: 10>, scalar_prefetch = 0 : i64, scratch_operands = 0 : i64, tpu.core_type = #tpu.core_type<tc>, window_params = [{transform_indices = @transform_0, window_bounds = array<i64: 1024, 128>}, {transform_indices = @transform_1, window_bounds = array<i64: 1024, 128>}, {transform_indices = @transform_2, window_bounds = array<i64: 1024, 128>}, {transform_indices = @transform_3, window_bounds = array<i64: 1024, 1>}, {pipeline_mode = #tpu.pipeline_mode<synchronous>, transform_indices = @transform_4, window_bounds = array<i64: 1, 128>}, {pipeline_mode = #tpu.pipeline_mode<synchronous>, transform_indices = @transform_5, window_bounds = array<i64: 128, 128>}, {transform_indices = @transform_6, window_bounds = array<i64: 1024, 128>}]} {
    %get3A = arith.constant 0 : index
    %get3A_0 = arith.constant 0 : index
    %get3A_1 = vector.load %arg1[%get3A, %get3A_0] : memref<1024x128xf32, #tpu.memory_space<vmem>>, vector<1024x128xf32>
    %get3A_2 = arith.constant 0 : index
    %get3A_3 = arith.constant 0 : index
    %get3A_4 = vector.load %arg2[%get3A_2, %get3A_3] : memref<1024x128xf32, #tpu.memory_space<vmem>>, vector<1024x128xf32>
    %add3A = arith.addf %get3A_1, %get3A_4 : vector<1024x128xf32>
    %get3A_5 = arith.constant 0 : index
    %get3A_6 = arith.constant 0 : index
    %get3A_7 = vector.load %arg3[%get3A_5, %get3A_6] : memref<1024x128xf32, #tpu.memory_space<vmem>>, vector<1024x128xf32>
    %add3A_8 = arith.addf %add3A, %get3A_7 : vector<1024x128xf32>
    %get3A_9 = arith.constant 0 : index
    %get3A_10 = arith.constant 0 : index
    %get3A_11 = vector.load %arg4[%get3A_9, %get3A_10] : memref<1024x1xf32, #tpu.memory_space<vmem>>, vector<1024x1xf32>
    %mul3A = vector.broadcast %get3A_11 : vector<1024x1xf32> to vector<1024x128xf32>
    %mul3A_12 = arith.mulf %add3A_8, %mul3A : vector<1024x128xf32>
    %get3A_13 = arith.constant 0 : index
    %get3A_14 = arith.constant 0 : index
    %get3A_15 = vector.load %arg5[%get3A_13, %get3A_14] : memref<1x128xf32, #tpu.memory_space<vmem>>, vector<1x128xf32>
    %add3A_16 = vector.broadcast %get3A_15 : vector<1x128xf32> to vector<1024x128xf32>
    %add3A_17 = arith.addf %mul3A_12, %add3A_16 : vector<1024x128xf32>
    %max3A = arith.constant 0.000000e+00 : f32
    %max3A_18 = vector.broadcast %max3A : f32 to vector<1024x128xf32>
    %max3A_19 = arith.maximumf %add3A_17, %max3A_18 : vector<1024x128xf32>
    %get3A_20 = arith.constant 0 : index
    %get3A_21 = arith.constant 0 : index
    %get3A_22 = vector.load %arg6[%get3A_20, %get3A_21] : memref<128x128xf32, #tpu.memory_space<vmem>>, vector<128x128xf32>
    %dot_general3A = arith.constant dense<0.000000e+00> : vector<1024x128xf32>
    %dot_general3A_23 = tpu.matmul %max3A_19, %get3A_22, %dot_general3A {dimension_numbers = #tpu.dot_dimension_numbers<[1], [0], [0], [1], [0, 0, 1, 1], [], []>, transpose_lhs_hint = false} : vector<1024x128xf32>, vector<128x128xf32>, vector<1024x128xf32> -> vector<1024x128xf32>
    %get3A_24 = arith.constant 0 : index
    %get3A_25 = arith.constant 0 : index
    %get3A_26 = vector.load %arg4[%get3A_24, %get3A_25] : memref<1024x1xf32, #tpu.memory_space<vmem>>, vector<1024x1xf32>
    %mul3A_27 = vector.broadcast %get3A_26 : vector<1024x1xf32> to vector<1024x128xf32>
    %mul3A_28 = arith.mulf %dot_general3A_23, %mul3A_27 : vector<1024x128xf32>
    %swap3A = arith.constant 0 : index
    %swap3A_29 = arith.constant 0 : index
    %swap3A_30 = vector.load %arg7[%swap3A, %swap3A_29] : memref<1024x128xf32, #tpu.memory_space<vmem>>, vector<1024x128xf32>
    tpu.vector_store %arg7[%swap3A, %swap3A_29], %mul3A_28 {strides = array<i32>} : memref<1024x128xf32, #tpu.memory_space<vmem>>, vector<1024x128xf32>,
    return
  }
  func.func @transform_0(%arg0: i32) -> (i32, i32) {
    %c0_i32 = arith.constant 0 : i32
    %c0_i32_0 = arith.constant 0 : i32
    return %arg0, %c0_i32 : i32, i32
  }
  func.func @transform_1(%arg0: i32) -> (i32, i32) {
    %c0_i32 = arith.constant 0 : i32
    %c0_i32_0 = arith.constant 0 : i32
    return %arg0, %c0_i32 : i32, i32
  }
  func.func @transform_2(%arg0: i32) -> (i32, i32) {
    %c0_i32 = arith.constant 0 : i32
    %c0_i32_0 = arith.constant 0 : i32
    return %arg0, %c0_i32 : i32, i32
  }
  func.func @transform_3(%arg0: i32) -> (i32, i32) {
    %c0_i32 = arith.constant 0 : i32
    %c0_i32_0 = arith.constant 0 : i32
    return %arg0, %c0_i32 : i32, i32
  }
  func.func @transform_4(%arg0: i32) -> (i32, i32) {
    %c0_i32 = arith.constant 0 : i32
    %c0_i32_0 = arith.constant 0 : i32
    %c0_i32_1 = arith.constant 0 : i32
    return %c0_i32, %c0_i32_0 : i32, i32
  }
  func.func @transform_5(%arg0: i32) -> (i32, i32) {
    %c0_i32 = arith.constant 0 : i32
    %c0_i32_0 = arith.constant 0 : i32
    %c0_i32_1 = arith.constant 0 : i32
    return %c0_i32, %c0_i32_0 : i32, i32
  }
  func.func @transform_6(%arg0: i32) -> (i32, i32) {
    %c0_i32 = arith.constant 0 : i32
    %c0_i32_0 = arith.constant 0 : i32
    return %arg0, %c0_i32 : i32, i32
  }
}

module attributes {stable_mosaic.version = 14 : i64} {
  func.func @body(%arg0: i32, %arg1: memref<1024x128xf32, #tpu.memory_space<vmem>>, %arg2: memref<1024x128xf32, #tpu.memory_space<vmem>>, %arg3: memref<1024x128xf32, #tpu.memory_space<vmem>>, %arg4: memref<1024x1xf32, #tpu.memory_space<vmem>>, %arg5: memref<1x128xf32, #tpu.memory_space<vmem>>, %arg6: memref<1024x128xf32, #tpu.memory_space<vmem>>) attributes {dimension_semantics = [#tpu.dimension_semantics<arbitrary>], iteration_bounds = array<i64: 10>, scalar_prefetch = 0 : i64, scratch_operands = 0 : i64, tpu.core_type = #tpu.core_type<tc>, window_params = [{transform_indices = @transform_0, window_bounds = array<i64: 1024, 128>}, {transform_indices = @transform_1, window_bounds = array<i64: 1024, 128>}, {transform_indices = @transform_2, window_bounds = array<i64: 1024, 128>}, {transform_indices = @transform_3, window_bounds = array<i64: 1024, 1>}, {pipeline_mode = #tpu.pipeline_mode<synchronous>, transform_indices = @transform_4, window_bounds = array<i64: 1, 128>}, {transform_indices = @transform_5, window_bounds = array<i64: 1024, 128>}]} {
    %get3A = arith.constant 0 : index
    %get3A_0 = arith.constant 0 : index
    %get3A_1 = vector.load %arg1[%get3A, %get3A_0] : memref<1024x128xf32, #tpu.memory_space<vmem>>, vector<1024x128xf32>
    %get3A_2 = arith.constant 0 : index
    %get3A_3 = arith.constant 0 : index
    %get3A_4 = vector.load %arg2[%get3A_2, %get3A_3] : memref<1024x128xf32, #tpu.memory_space<vmem>>, vector<1024x128xf32>
    %add3A = arith.addf %get3A_1, %get3A_4 : vector<1024x128xf32>
    %get3A_5 = arith.constant 0 : index
    %get3A_6 = arith.constant 0 : index
    %get3A_7 = vector.load %arg3[%get3A_5, %get3A_6] : memref<1024x128xf32, #tpu.memory_space<vmem>>, vector<1024x128xf32>
    %add3A_8 = arith.addf %add3A, %get3A_7 : vector<1024x128xf32>
    %get3A_9 = arith.constant 0 : index
    %get3A_10 = arith.constant 0 : index
    %get3A_11 = vector.load %arg4[%get3A_9, %get3A_10] : memref<1024x1xf32, #tpu.memory_space<vmem>>, vector<1024x1xf32>
    %mul3A = vector.broadcast %get3A_11 : vector<1024x1xf32> to vector<1024x128xf32>
    %mul3A_12 = arith.mulf %add3A_8, %mul3A : vector<1024x128xf32>
    %get3A_13 = arith.constant 0 : index
    %get3A_14 = arith.constant 0 : index
    %get3A_15 = vector.load %arg5[%get3A_13, %get3A_14] : memref<1x128xf32, #tpu.memory_space<vmem>>, vector<1x128xf32>
    %add3A_16 = vector.broadcast %get3A_15 : vector<1x128xf32> to vector<1024x128xf32>
    %add3A_17 = arith.addf %mul3A_12, %add3A_16 : vector<1024x128xf32>
    %swap3A = arith.constant 0 : index
    %swap3A_18 = arith.constant 0 : index
    %swap3A_19 = vector.load %arg6[%swap3A, %swap3A_18] : memref<1024x128xf32, #tpu.memory_space<vmem>>, vector<1024x128xf32>
    tpu.vector_store %arg6[%swap3A, %swap3A_18], %add3A_17 {strides = array<i32>} : memref<1024x128xf32, #tpu.memory_space<vmem>>, vector<1024x128xf32>,
    return
  }
  func.func @transform_0(%arg0: i32) -> (i32, i32) {
    %c0_i32 = arith.constant 0 : i32
    %c0_i32_0 = arith.constant 0 : i32
    return %arg0, %c0_i32 : i32, i32
  }
  func.func @transform_1(%arg0: i32) -> (i32, i32) {
    %c0_i32 = arith.constant 0 : i32
    %c0_i32_0 = arith.constant 0 : i32
    return %arg0, %c0_i32 : i32, i32
  }
  func.func @transform_2(%arg0: i32) -> (i32, i32) {
    %c0_i32 = arith.constant 0 : i32
    %c0_i32_0 = arith.constant 0 : i32
    return %arg0, %c0_i32 : i32, i32
  }
  func.func @transform_3(%arg0: i32) -> (i32, i32) {
    %c0_i32 = arith.constant 0 : i32
    %c0_i32_0 = arith.constant 0 : i32
    return %arg0, %c0_i32 : i32, i32
  }
  func.func @transform_4(%arg0: i32) -> (i32, i32) {
    %c0_i32 = arith.constant 0 : i32
    %c0_i32_0 = arith.constant 0 : i32
    %c0_i32_1 = arith.constant 0 : i32
    return %c0_i32, %c0_i32_0 : i32, i32
  }
  func.func @transform_5(%arg0: i32) -> (i32, i32) {
    %c0_i32 = arith.constant 0 : i32
    %c0_i32_0 = arith.constant 0 : i32
    return %arg0, %c0_i32 : i32, i32
  }
}

</mosaic_0001>

<sc_bundles>
// kernel: kernel.11.cloned.1.call-start
scs
__scs_entry_jumppad:
0x0: {  	(pc) =	sbr.rel $0x88, $3  }
0x1: {  	(tag) =	ssettag $0x0;
	lr =	simm.s32 $0x1  }
0x2: {  	[smem:$0x3F9B] =	sst lr;
	_ =	strace $0xD0000000  }
0x3: {  	_ = 	snop  }
0x4: {  	_ = 	snop  }
0x5: {  	_ = 	snop  }
0x6: {  	_ = 	snop  }
0x7: {  	_ = 	snop  }
__scs_overlays_trampoline_lowered:
0x8: {  	[smem:$0x3FAA] =	sst s0  }
0x9: {  	[smem:$0x3FAB] =	sst s1  }
0xa: {  	[smem:$0x3FAC] =	sst s2  }
0xb: {  	[smem:$0x3FAD] =	sst s3  }
0xc: {  	[smem:$0x3FAE] =	sst s4  }
0xd: {  	[smem:$0x3FAF] =	sst s5  }
0xe: {  	[smem:$0x3FB0] =	sst s6  }
0xf: {  	[smem:$0x3FB1] =	sst s7  }
0x10: {  	[smem:$0x3FB2] =	sst s8  }
0x11: {  	[smem:$0x3FB3] =	sst s9;
	s0 =	simm.s32 @!p0 $0x0  }
0x12: {  	s1 =	sld [smem:$0x3F99];
	s0 =	simm.s32 @p0 $0x1  }
0x13: {  	[smem:$0x3FB4] =	sst s0;
	s0 =	simm.s32 @!p1 $0x0  }
0x14: {  	s2 =	sld [smem:$0x3F98];
	s0 =	simm.s32 @p1 $0x1  }
0x15: {  	[smem:$0x3FB5] =	sst s0;
	s0 =	simm.s32 @!p2 $0x0  }
0x16: {  	s3 =	sld [smem:$0x3FDB];
	s0 =	simm.s32 @p2 $0x1  }
0x17: {  	s4 =	simm.s32 $0x1BF5;
	[smem:$0x3FB7] =	sst s0  }
0x18: {  	s0 =	sld [smem:$0x3F9A];
	_ =	swait.ge [sflag:s4], $0x0  }
0x19: {  	s7 =	sld [smem:$0x3F9B]  }
0x1a: {  	s8 =	sadd.s32 $0xFFFFE003, lr  }
0x1b: {  	s9 =	sadd.s32 $0xFFFFFEF7, lr;
	s5 =	simm.s32 $0xFFFFFFFF;
	p2 =	slt.u32 s8, $0xFFFFF086  }
0x1c: {  	p1 =	slt.u32 s9, $0xF7A;
	s5 =	simm.s32 @!p2 $0x0  }
0x1d: {  	s5 =	simm.s32 @p1 $0x1;
	p0 =	seq.s32 s7, s2  }
0x1e: {  	s7 =	smul.u32 @!p0 $0xF7A, s2;
	p2 =	seq.s32 @!p0 s5, $0x0  }
0x1f: {  	s9 =	smul.u32 $0xF7A, s1;
	s8 =	simm.s32 @!p0 $0x1BF5;
	p2 =	por !p2, p0  }
0x20: {  	[sflag:s8] =	ssyncset.s32 @!p0 $0xFFFFF086;
	s6 =	sadd.s32 @!p0 s3, s7;
	s7 =	simm.s32 @!p0 $0x108  }
0x21: {  	s3 =	sadd.s32 s3, s9;
	s6 =	sadd.s32 @!p0 $0x88, s6;
	s7 =	simm.s32 @p2 $0x1082  }
0x22: {  	[simem:s7], [sflag:s8] =	dma.local @!p0 [hbm:s6], $0xF7A  }
0x23: {  	s9 =	sor.u32 $0xD0000000, s2;
	s6 =	simm.s32 $0x108;
	_ =	swait.ge @!p0 [sflag:s8], $0x0  }
0x24: {  	s3 =	sadd.s32 $0x88, s3;
	s6 =	simm.s32 @!p1 $0x1082;
	[sflag:s4] =	ssyncset.s32 $0xFFFFF086  }
0x25: {  	[simem:s6], [sflag:s4] =	dma.local [hbm:s3], $0xF7A  }
0x26: {  	[smem:$0x3F9B] =	sst s1;
	(tag) =	ssettag s2;
	_ =	strace s9  }
0x27: {  	s1 =	sld [smem:$0x3FAB]  }
0x28: {  	s2 =	sld [smem:$0x3FAC]  }
0x29: {  	s4 =	sld [smem:$0x3FAE]  }
0x2a: {  	p0 =	seq.s32 s5, $0x0;
	s5 =	sld [smem:$0x3FAF]  }
0x2b: {  	s6 =	sld [smem:$0x3FB0]  }
0x2c: {  	s7 =	sld [smem:$0x3FB1]  }
0x2d: {  	s3 =	simm.s32 $0x108;
	s8 =	sld [smem:$0x3FB2]  }
0x2e: {  	s3 =	simm.s32 @!p0 $0x1082;
	s9 =	sld [smem:$0x3FB3]  }
0x2f: {  	lr =	sadd.s32 s0, s3;
	s0 =	sld [smem:$0x3FAA]  }
0x30: {  	s3 =	sld [smem:$0x3FAD]  }
0x31: {  	[smem:$0x3FB6] =	sst s10  }
0x32: {  	s10 =	sld [smem:$0x3FB4];
	_ =	sdelay $0x3  }
0x33: {  	p0 =	seq.s32 s10, $0x1;
	s10 =	sld [smem:$0x3FB6];
	_ =	sdelay $0x3  }
0x34: {  	[smem:$0x3FB6] =	sst s10  }
0x35: {  	s10 =	sld [smem:$0x3FB5];
	_ =	sdelay $0x3  }
0x36: {  	p1 =	seq.s32 s10, $0x1;
	s10 =	sld [smem:$0x3FB6];
	_ =	sdelay $0x3  }
0x37: {  	[smem:$0x3FB6] =	sst s10  }
0x38: {  	s10 =	sld [smem:$0x3FB7]  }
0x39: {  	_ = 	snop;
	(pc) =	sbr.ind lr, $3  }
0x3a: {  	_ = 	snop  }
0x3b: {  	_ = 	snop  }
0x3c: {  	p2 =	seq.s32 s10, $0x1;
	s10 =	sld [smem:$0x3FB6]  }
0x3d: {  	_ =	shalt  }
0x3e: {  	_ =	shalt  }
0x3f: {  	_ =	shalt  }
0x40: {  	_ =	shalt  }
0x41: {  	_ =	shalt  }
0x42: {  	_ =	shalt  }
0x43: {  	_ =	shalt  }
0x44: {  	_ =	shalt  }
0x45: {  	_ =	shalt  }
0x46: {  	_ =	shalt  }
0x47: {  	_ =	shalt  }
0x48: {  	_ =	shalt  }
0x49: {  	_ =	shalt  }
0x4a: {  	_ =	shalt  }
0x4b: {  	_ =	shalt  }
0x4c: {  	_ =	shalt  }
0x4d: {  	_ =	shalt  }
0x4e: {  	_ =	shalt  }
0x4f: {  	_ =	shalt  }
0x50: {  	_ =	shalt  }
0x51: {  	_ =	shalt  }
0x52: {  	_ =	shalt  }
0x53: {  	_ =	shalt  }
0x54: {  	_ =	shalt  }
0x55: {  	_ =	shalt  }
0x56: {  	_ =	shalt  }
0x57: {  	_ =	shalt  }
0x58: {  	_ =	shalt  }
0x59: {  	_ =	shalt  }
0x5a: {  	_ =	shalt  }
0x5b: {  	_ =	shalt  }
0x5c: {  	_ =	shalt  }
0x5d: {  	_ =	shalt  }
0x5e: {  	_ =	shalt  }
0x5f: {  	_ =	shalt  }
0x60: {  	_ =	shalt  }
0x61: {  	_ =	shalt  }
0x62: {  	_ =	shalt  }
0x63: {  	_ =	shalt  }
0x64: {  	_ =	shalt  }
0x65: {  	_ =	shalt  }
0x66: {  	_ =	shalt  }
0x67: {  	_ =	shalt  }
0x68: {  	_ =	shalt  }
0x69: {  	_ =	shalt  }
0x6a: {  	_ =	shalt  }
0x6b: {  	_ =	shalt  }
0x6c: {  	_ =	shalt  }
0x6d: {  	_ =	shalt  }
0x6e: {  	_ =	shalt  }
0x6f: {  	_ =	shalt  }
0x70: {  	_ =	shalt  }
0x71: {  	_ =	shalt  }
0x72: {  	_ =	shalt  }
0x73: {  	_ =	shalt  }
0x74: {  	_ =	shalt  }
0x75: {  	_ =	shalt  }
0x76: {  	_ =	shalt  }
0x77: {  	_ =	shalt  }
0x78: {  	_ =	shalt  }
0x79: {  	_ =	shalt  }
0x7a: {  	_ =	shalt  }
0x7b: {  	_ =	shalt  }
0x7c: {  	_ =	shalt  }
0x7d: {  	_ =	shalt  }
0x7e: {  	_ =	shalt  }
0x7f: {  	_ =	shalt  }
0x80: {  	_ =	shalt  }
0x81: {  	_ =	shalt  }
0x82: {  	_ =	shalt  }
0x83: {  	_ =	shalt  }
0x84: {  	_ =	shalt  }
0x85: {  	_ =	shalt  }
0x86: {  	_ =	shalt  }
0x87: {  	_ =	shalt  }
.Lfunc_end0:
.L_simem_size_0:
called_computation.1_lowered:
.L_overlay_start_0:
0x88: {  	s2 =	sld [smem:$0x3FD9]  }
0x89: {  	s3 =	sld [smem:$0x3FFE];
	_ =	sdelay $0x1  }
0x8a: {  	s1 =	srdreg.scid  }
0x8b: {  	s0 =	sand.u32 $0x1, s1  }
0x8c: {  	s17 =	sshll.u32 s0, $0xA;
	s2 =	sadd.s32 s3, s2  }
0x8d: {  	s2 =	sadd.s32 s2, s17  }
0x8e: {  	[smem:$0x3FC2] =	sst s2  }
0x8f: {  	_ = 	snop  }
0x90: {  	s2 =	sld [smem:$0x3FD0];
	(tm) =	ssettm $0x1  }
0x91: {  	s18 =	sld [smem:$0x3FFB];
	_ =	sdelay $0x3  }
0x92: {  	_ =	strace s18  }
0x93: {  	s3 =	sld [smem:$0x3FFC];
	_ =	sdelay $0x3  }
0x94: {  	_ =	strace s3  }
0x95: {  	s3 =	sld [smem:$0x3FFD];
	_ =	sdelay $0x3  }
0x96: {  	_ =	strace s3  }
0x97: {  	_ =	strace $0x8FFFFFFF  }
0x98: {  	s19 =	sld [smem:$0x3FDB];
	_ =	sdelay $0x1  }
0x99: {  	s4 =	simm.s32 $_scs_section_size  }
0x9a: {  	s5 =	simm.s32 $_size__tile_overlayer_lowered;
	s6 =	simm.s32 $_tile_overlayer_lowered  }
0x9b: {  	s22 =	simm.s32 $0x1BFF;
	s21 =	sshll.u32 s6, $0x1;
	s3 =	sadd.s32 s4, s19  }
0x9c: {  	s7 =	simm.s32 $0x0;
	s20 =	sshll.u32 s5, $0x1;
	s5 =	sadd.s32 s21, s3  }
0x9d: {  	[timem:s7], [sflag:s22] =	dma.local [hbm:s5], s20  }
0x9e: {  	_ =	swait.ge [sflag:s22], s20  }
0x9f: {  	s4 =	ssub.s32 $0x0, s20;
	[sflag:s22] =	ssyncset.done $0x0  }
0xa0: {  	[sflag:s22] =	ssyncadd.s32 s4;
	_ =	sdelay $0x1  }
0xa1: {  	s23 =	simm.s32 $0x1B8B  }
0xa2: {  	_ =	swait.ge [sflag:s23], $0x1  }
0xa3: {  	[sflag:s23] =	ssyncset.done $0x0  }
0xa4: {  	s25 =	simm.s32 $0x1B8E;
	s24 =	sld [smem:$0x3FFE];
	[sflag:s23] =	ssyncadd.s32 $0xFFFFFFFF  }
0xa5: {  	s26 =	simm.s32 $execute0_lowered;
	[smem:$0x3FD2] =	sst s25  }
0xa6: {  	s5 =	sshll.u32 s26, $0x1;
	_ =	strace $0x80000049;
	[dreg:$0x1] =	wrdreg $0xFFFFFFFF  }
0xa7: {  	s28 =	simm.s32 $_size_execute0_lowered;
	s3 =	sadd.s32 s3, s5;
	[dreg:$0x0] =	wrdreg $0x0  }
0xa8: {  	s5 =	sshll.u32 s28, $0x1;
	[dreg:$0x2] =	wrdreg s3  }
0xa9: {  	[dreg:$0x3] =	wrdreg s5  }
0xaa: {  	[dreg:$0x4] =	wrdreg $0xC0  }
0xab: {  	_ =	task [dreg:s7], $0x5FFFF  }
0xac: {  	[dreg:$0x1] =	wrdreg $0xFFFFFFFF  }
0xad: {  	[dreg:$0x0] =	wrdreg $0x60  }
0xae: {  	[dreg:$0x2] =	wrdreg s24  }
0xaf: {  	[dreg:$0x3] =	wrdreg s2  }
0xb0: {  	[dreg:$0x4] =	wrdreg $0x81000  }
0xb1: {  	[dreg:$0x5] =	wrdreg $0x9  }
0xb2: {  	_ =	task.clear_ibuf [dreg:s7], $0x6FFFF;
	_ =	strace $0x90000049  }
0xb3: {  	s29 =	simm.s32 $0x9;
	_ =	strace $0x8000004B  }
0xb4: {  	_ =	swait.ge [sflag:s29], $0x1  }
0xb5: {  	[sflag:s29] =	ssyncadd.s32 $0xFFFFFFFF  }
0xb6: {  	_ =	strace $0x9000004B  }
0xb7: {  	_ =	sfence  }
0xb8: {  	s30 =	sld [smem:$0x0];
	_ =	sdelay $0x2  }
0xb9: {  	s31 =	sshll.u32 s1, $0xD;
	s1 =	sshrl.u32 s1, $0x2  }
0xba: {  	s3 =	sand.u32 $0x4000, s31;
	s1 =	sadd.s32 s1, s30  }
0xbb: {  	s0 =	sor.u32 s3, s0;
	s1 =	sshll.u32 s1, $0x11  }
0xbc: {  	s0 =	sor.u32 s1, s0  }
0xbd: {  	s0 =	sadd.s32 $0x8F2B, s0  }
0xbe: {  	[sflag:s0] =	ssyncadd.remote.s32 $0x1  }
0xbf: {  	_ =	sfence.sel $0xFFFF  }
0xc0: {  	[dreg:$0x0] =	wrdreg $0xFFFFFFFF;
	(pc) =	sbr.abs _section_cstart, $3  }
0xc1: {  	[dreg:$0x1] =	wrdreg $0xFFFFFFFF  }
0xc2: {  	_ =	task.clear_ibuf [dreg:s7], $0x2FFFF;
	_ =	strace $0x9FFFFFFF  }
0xc3: {  	(tm) =	ssettm $0x7FFFFFFF  }
tec
execute0_lowered:
.L_overlay_start_1:
0x0: {  	(tag) =	ssettag $0x1  }
0x1: {  	s5 =	rddreg [dreg:$0x0]  }
0x2: {  	s11 =	rddreg [dreg:$0x1]  }
0x3: {  	s1 =	rddreg [dreg:$0x2]  }
0x4: {  	s2 =	srdreg.scid;
	s0 =	rddreg [dreg:$0x3]  }
0x5: {  	s3 =	simm.s32 $0x0;
	s15 =	simm.s32 $0x2;
	s6 =	sand.u32 $0x1, s2  }
0x6: {  	s16 =	simm.s32 $0x80;
	s2 =	stileid.u32;
	s7 =	smul.u32 $0x140000, s6  }
0x7: {  	s17 =	simm.s32 $0x100;
	s18 =	simm.s32 $0x1;
	s8 =	smul.u32 $0x14000, s2  }
0x8: {  	s21 =	simm.s32 $0x0;
	[smem:$0x7FF] =	sst s3;
	s12 =	smul.u32 $0x4F00, s6  }
0x9: {  	s4 =	sadd.s32 $0x2A00, s5;
	_ =	strace $0x8000004A;
	s30 =	smul.u32 $0x50000, s2  }
0xa: {  	s6 =	ssub.s32 $0x2, s6;
	s14 =	smul.u32 $0x4F0, s2;
	s19 =	sshll.u32 s2, $0x6  }
0xb: {  	s9 =	sshrl.u32 s6, $0x1;
	s19 =	sor.u32 $0x1C02, s19;
	s7 =	sadd.s32 s8, s7  }
0xc: {  	s13 =	sadd.s32 s12, s5;
	s9 =	ssub.s32 s6, s9;
	s31 =	sshrl.u32 s30, $0x2  }
0xd: {  	s12 =	sadd.s32 s12, s11;
	s7 =	sshrl.u32 s7, $0x3;
	s13 =	sadd.s32 s14, s13  }
0xe: {  	s12 =	sadd.s32 s14, s12;
	s14 =	simm.s32 $0x4100;
	s7 =	sadd.s32 s7, s5  }
0xf: {  	s5 =	sadd.s32 s31, s1;
	s13 =	sadd.s32 $0x52A00, s13;
	s6 =	sadd.s32 $0x5C800, s7  }
0x10: {  	s7 =	smax.u32 s9, $0x1;
	s8 =	sadd.s32 $0x4000, s5;
	s9 =	sadd.s32 $0x8000, s5  }
0x11: {  	v0 =	vimm.f32 $0.0e+00;
	s10 =	sadd.s32 $0xC000, s5;
	s11 =	sadd.s32 $0x10000, s5;
	s20 =	sshrl.u32 s5, $0x3  }
.LBB2_1:
0x12: {  	s22 =	simm.s32 $0x0;
	s23 =	simm.s32 $0x200  }
.LBB2_2:
0x13: {  	p0 =	sne.s32 s23, $0xFE00;
	[tilespmem:s22+$0x4170] =	vst v0  }
0x14: {  	[tilespmem:s22+$0x4100] =	vst v0  }
0x15: {  	[tilespmem:s22+$0x4110] =	vst v0  }
.Ltmp0:
0x16: {  	[tilespmem:s22+$0x4120] =	vst v0;
	(pc) =	sbr.rel @p0 .LBB2_2-.Ltmp0, $4  }
0x17: {  	[tilespmem:s22+$0x4130] =	vst v0  }
0x18: {  	[tilespmem:s22+$0x4140] =	vst v0  }
0x19: {  	[tilespmem:s22+$0x4150] =	vst v0  }
0x1a: {  	[tilespmem:s22+$0x4160] =	vst v0;
	s22 =	sshra.s32 s23, $0x2;
	s23 =	sadd.s32 $0x200, s23  }
0x1b: {  	[tilespmem:s22+$0x4170] =	vst v0  }
0x1c: {  	[tilespmem:s22+$0x4100] =	vst v0  }
0x1d: {  	[tilespmem:s22+$0x4110] =	vst v0  }
0x1e: {  	[tilespmem:s22+$0x4120] =	vst v0  }
0x1f: {  	[tilespmem:s22+$0x4130] =	vst v0  }
0x20: {  	[tilespmem:s22+$0x4140] =	vst v0  }
0x21: {  	[tilespmem:s22+$0x4150] =	vst v0  }
0x22: {  	[tilespmem:s22+$0x4160] =	vst v0  }
0x23: {  	[spmem:s5] =	stream.linear.scatter [tilespmem:s14], [sflag:$0x2], $0x4000, $0x38;
	[tilespmem:$0x1C100] =	vst v63  }
0x24: {  	_ =	swait.ge [sflag:s15], $0x4000  }
0x25: {  	[sflag:s15] =	ssyncset.done $0x0  }
0x26: {  	[sflag:s15] =	ssyncadd.s32 $0xFFFFC000  }
0x27: {  	[spmem:s8] =	stream.linear.scatter [tilespmem:s14], [sflag:$0x2], $0x4000, $0x38;
	[tilespmem:$0x1C100] =	vst v63  }
0x28: {  	_ =	swait.ge [sflag:s15], $0x4000  }
0x29: {  	[sflag:s15] =	ssyncset.done $0x0  }
0x2a: {  	[sflag:s15] =	ssyncadd.s32 $0xFFFFC000  }
0x2b: {  	[spmem:s9] =	stream.linear.scatter [tilespmem:s14], [sflag:$0x2], $0x4000, $0x38;
	[tilespmem:$0x1C100] =	vst v63  }
0x2c: {  	_ =	swait.ge [sflag:s15], $0x4000  }
0x2d: {  	[sflag:s15] =	ssyncset.done $0x0  }
0x2e: {  	[sflag:s15] =	ssyncadd.s32 $0xFFFFC000  }
0x2f: {  	[spmem:s10] =	stream.linear.scatter [tilespmem:s14], [sflag:$0x2], $0x4000, $0x38;
	[tilespmem:$0x1C100] =	vst v63  }
0x30: {  	_ =	swait.ge [sflag:s15], $0x4000  }
0x31: {  	[sflag:s15] =	ssyncset.done $0x0  }
0x32: {  	[sflag:s15] =	ssyncadd.s32 $0xFFFFC000  }
0x33: {  	[spmem:s11] =	stream.linear.scatter [tilespmem:s14], [sflag:$0x2], $0x4000, $0x38;
	[tilespmem:$0x1C100] =	vst v63  }
0x34: {  	_ =	swait.ge [sflag:s15], $0x4000  }
0x35: {  	[sflag:s15] =	ssyncset.done $0x0  }
0x36: {  	[sflag:s15] =	ssyncadd.s32 $0xFFFFC000  }
0x37: {  	s30 =	sadd.s32 $0x0, s13;
	[bflag:$0x0] =	sbarrier.arrive $0xFFFF  }
0x38: {  	[tilespmem:s3], [sflag:$0x2] =	stream.linear.gather [hbm4b:s30+s3], $0x80, $0x38;
	[tilespmem:$0x1C100] =	vst v63  }
0x39: {  	_ =	swait.ge [sflag:s15], $0x80  }
0x3a: {  	[sflag:s15] =	ssyncset.done $0x0  }
0x3b: {  	s31 =	sadd.s32 $0x0, s12;
	[sflag:s15] =	ssyncadd.s32 $0xFFFFFF80  }
0x3c: {  	[tilespmem:s16], [sflag:$0x2] =	stream.linear.gather [hbm4b:s31+s3], $0x80, $0x38;
	[tilespmem:$0x1C100] =	vst v63  }
0x3d: {  	_ =	swait.ge [sflag:s15], $0x80  }
0x3e: {  	[sflag:s15] =	ssyncset.done $0x0  }
0x3f: {  	[sflag:s15] =	ssyncadd.s32 $0xFFFFFF80  }
0x40: {  	[tilespmem:s17], [sflag:$0x1] =	stream.indirect.gather [hbm4b:s4+s16], $0x80, s3, s16, $0xb8;
	[tilespmem:$0x1C100] =	vst v63  }
0x41: {  	_ =	swait.ge [sflag:s18], $0x4000  }
0x42: {  	[sflag:s18] =	ssyncset.done $0x0  }
0x43: {  	[sflag:s18] =	ssyncadd.s32 $0xFFFFC000  }
0x44: {  	[spmem:s1] =	stream.indirect.scatter.add.f32 [tilespmem:s17], [sflag:$0x2], $0x80, s16, s16, $0xb8;
	[tilespmem:$0x1C100] =	vst v63  }
0x45: {  	_ =	swait.ge [sflag:s15], $0x4000  }
0x46: {  	s22 =	simm.s32 $0x10;
	s23 =	simm.s32 $0x20;
	[sflag:s15] =	ssyncset.done $0x0  }
.LBB2_4:
0x47: {  	s24 =	sadd.s32 s22, s13  }
0x48: {  	[sflag:s15] =	ssyncadd.s32 $0xFFFFC000;
	s25 =	smov.u32 s23;
	s26 =	sadd.s32 $0x10, s23  }
0x49: {  	[tilespmem:s3], [sflag:$0x2] =	stream.linear.gather [hbm4b:s24+s3], $0x80, $0x38;
	[tilespmem:$0x1C100] =	vst v63  }
0x4a: {  	p0 =	sne.s32 s23, $0x4E0;
	_ =	swait.ge [sflag:s15], $0x80  }
0x4b: {  	[sflag:s15] =	ssyncset.done $0x0  }
0x4c: {  	s23 =	sadd.s32 s22, s12;
	s22 =	smov.u32 s25;
	[sflag:s15] =	ssyncadd.s32 $0xFFFFFF80  }
0x4d: {  	[tilespmem:s16], [sflag:$0x2] =	stream.linear.gather [hbm4b:s23+s3], $0x80, $0x38;
	[tilespmem:$0x1C100] =	vst v63  }
0x4e: {  	_ =	swait.ge [sflag:s15], $0x80  }
0x4f: {  	[sflag:s15] =	ssyncset.done $0x0  }
0x50: {  	[sflag:s15] =	ssyncadd.s32 $0xFFFFFF80  }
0x51: {  	[tilespmem:s17], [sflag:$0x1] =	stream.indirect.gather [hbm4b:s4+s16], $0x80, s3, s16, $0xb8;
	[tilespmem:$0x1C100] =	vst v63  }
0x52: {  	_ =	swait.ge [sflag:s18], $0x4000  }
.Ltmp1:
0x53: {  	[sflag:s18] =	ssyncset.done $0x0;
	(pc) =	sbr.rel @p0 .LBB2_4-.Ltmp1, $4  }
0x54: {  	[sflag:s18] =	ssyncadd.s32 $0xFFFFC000  }
0x55: {  	[spmem:s1] =	stream.indirect.scatter.add.f32 [tilespmem:s17], [sflag:$0x2], $0x80, s16, s16, $0xb8;
	[tilespmem:$0x1C100] =	vst v63  }
0x56: {  	_ =	swait.ge [sflag:s15], $0x4000  }
0x57: {  	s23 =	smov.u32 s26;
	[sflag:s15] =	ssyncset.done $0x0  }
0x58: {  	s23 =	sadd.s32 s22, s13;
	[sflag:s15] =	ssyncadd.s32 $0xFFFFC000  }
0x59: {  	[tilespmem:s3], [sflag:$0x2] =	stream.linear.gather [hbm4b:s23+s3], $0x80, $0x38;
	[tilespmem:$0x1C100] =	vst v63  }
0x5a: {  	_ =	swait.ge [sflag:s15], $0x80  }
0x5b: {  	[sflag:s15] =	ssyncset.done $0x0  }
0x5c: {  	s31 =	sadd.s32 s22, s12;
	[sflag:s15] =	ssyncadd.s32 $0xFFFFFF80  }
0x5d: {  	[tilespmem:s16], [sflag:$0x2] =	stream.linear.gather [hbm4b:s31+s3], $0x80, $0x38;
	[tilespmem:$0x1C100] =	vst v63  }
0x5e: {  	_ =	swait.ge [sflag:s15], $0x80  }
0x5f: {  	[sflag:s15] =	ssyncset.done $0x0  }
0x60: {  	[sflag:s15] =	ssyncadd.s32 $0xFFFFFF80  }
0x61: {  	[tilespmem:s17], [sflag:$0x1] =	stream.indirect.gather [hbm4b:s4+s16], $0x80, s3, s16, $0xb8;
	[tilespmem:$0x1C100] =	vst v63  }
0x62: {  	_ =	swait.ge [sflag:s18], $0x4000  }
0x63: {  	[sflag:s18] =	ssyncset.done $0x0  }
0x64: {  	[sflag:s18] =	ssyncadd.s32 $0xFFFFC000  }
0x65: {  	[spmem:s1] =	stream.indirect.scatter.add.f32 [tilespmem:s17], [sflag:$0x2], $0x80, s16, s16, $0xb8;
	[tilespmem:$0x1C100] =	vst v63  }
0x66: {  	_ =	swait.ge [sflag:s15], $0x4000  }
0x67: {  	s21 =	sadd.s32 $0x1, s21;
	[sflag:s15] =	ssyncset.done $0x0  }
0x68: {  	p0 =	sne.s32 s21, s7;
	[sflag:s15] =	ssyncadd.s32 $0xFFFFC000  }
.Ltmp2:
0x69: {  	[bflag:$0x0] =	sbarrier.arrive $0xFFFF;
	(pc) =	sbr.rel @p0 .LBB2_1-.Ltmp2, $4  }
0x6a: {  	[hbm:s6], [sflag:s19] =	dma.local [spmem:s20], $0x2800  }
0x6b: {  	_ =	swait.ge [sflag:s15], $0x2800  }
0x6c: {  	[sflag:s15] =	ssyncset.done $0x0  }
0x6d: {  	[sflag:s15] =	ssyncadd.s32 $0xFFFFD800  }
0x6e: {  	_ =	sfence.sel $0x180000  }
0x6f: {  	[bflag:$0x0] =	sbarrier.arrive $0xFFFF  }
0x70: {  	p0 =	sne.s32 s2, $0x0;
	_ =	strace $0x9000004A  }
0x71: {  	s0 =	sadd.s32 @!p0 $0x100000, s0;
	[bflag:$0x2] =	sbarrier.arrive $0xFFFF  }
0x72: {  	[sflag:s0] =	ssyncadd.tile.s32 @!p0 $0x1;
	_ =	shalt  }
.Lfunc_end2:
_tile_overlayer_lowered:
.L_overlay_start_2:
0x73: {  	(tag) =	ssettag $0x2  }
0x74: {  	s0 =	rddreg [dreg:$0x0];
	s2 =	stileid.u32  }
0x75: {  	s1 =	rddreg [dreg:$0x1];
	p0 =	sne.s32 s2, $0x0  }
0x76: {  	s3 =	rddreg [dreg:$0x2];
	[bflag:$0x3] =	sbarrier.arrive $0xFFFF;
	s2 =	simm.s32 @!p0 $0x1C02  }
0x77: {  	[timem:s3], [sflag:s2] =	dma.local @!p0 [hbm:s0], s1  }
0x78: {  	s0 =	simm.s32 @!p0 $0x2  }
0x79: {  	_ =	swait.ge @!p0 [sflag:s0], s1  }
0x7a: {  	s1 =	ssub.s32 @!p0 $0x0, s1;
	[sflag:s0] =	ssyncset.done @!p0 $0x0  }
0x7b: {  	[sflag:s0] =	ssyncadd.s32 @!p0 s1  }
0x7c: {  	[bflag:$0x3] =	sbarrier.arrive $0xFFFF  }
0x7d: {  	_ =	shalt  }

// kernel: kernel.14.cloned.1.call-start
scs
__scs_entry_jumppad:
0x0: {  	(pc) =	sbr.rel $0x88, $3  }
0x1: {  	(tag) =	ssettag $0x0;
	lr =	simm.s32 $0x1  }
0x2: {  	[smem:$0x3F9B] =	sst lr;
	_ =	strace $0xD0000000  }
0x3: {  	_ = 	snop  }
0x4: {  	_ = 	snop  }
0x5: {  	_ = 	snop  }
0x6: {  	_ = 	snop  }
0x7: {  	_ = 	snop  }
__scs_overlays_trampoline_lowered:
0x8: {  	[smem:$0x3FAA] =	sst s0  }
0x9: {  	[smem:$0x3FAB] =	sst s1  }
0xa: {  	[smem:$0x3FAC] =	sst s2  }
0xb: {  	[smem:$0x3FAD] =	sst s3  }
0xc: {  	[smem:$0x3FAE] =	sst s4  }
0xd: {  	[smem:$0x3FAF] =	sst s5  }
0xe: {  	[smem:$0x3FB0] =	sst s6  }
0xf: {  	[smem:$0x3FB1] =	sst s7  }
0x10: {  	[smem:$0x3FB2] =	sst s8  }
0x11: {  	[smem:$0x3FB3] =	sst s9;
	s0 =	simm.s32 @!p0 $0x0  }
0x12: {  	s1 =	sld [smem:$0x3F99];
	s0 =	simm.s32 @p0 $0x1  }
0x13: {  	[smem:$0x3FB4] =	sst s0;
	s0 =	simm.s32 @!p1 $0x0  }
0x14: {  	s2 =	sld [smem:$0x3F98];
	s0 =	simm.s32 @p1 $0x1  }
0x15: {  	[smem:$0x3FB5] =	sst s0;
	s0 =	simm.s32 @!p2 $0x0  }
0x16: {  	s3 =	sld [smem:$0x3FDB];
	s0 =	simm.s32 @p2 $0x1  }
0x17: {  	s4 =	simm.s32 $0x1BF5;
	[smem:$0x3FB7] =	sst s0  }
0x18: {  	s0 =	sld [smem:$0x3F9A];
	_ =	swait.ge [sflag:s4], $0x0  }
0x19: {  	s7 =	sld [smem:$0x3F9B]  }
0x1a: {  	s8 =	sadd.s32 $0xFFFFE003, lr  }
0x1b: {  	s9 =	sadd.s32 $0xFFFFFEF7, lr;
	s5 =	simm.s32 $0xFFFFFFFF;
	p2 =	slt.u32 s8, $0xFFFFF086  }
0x1c: {  	p1 =	slt.u32 s9, $0xF7A;
	s5 =	simm.s32 @!p2 $0x0  }
0x1d: {  	s5 =	simm.s32 @p1 $0x1;
	p0 =	seq.s32 s7, s2  }
0x1e: {  	s7 =	smul.u32 @!p0 $0xF7A, s2;
	p2 =	seq.s32 @!p0 s5, $0x0  }
0x1f: {  	s9 =	smul.u32 $0xF7A, s1;
	s8 =	simm.s32 @!p0 $0x1BF5;
	p2 =	por !p2, p0  }
0x20: {  	[sflag:s8] =	ssyncset.s32 @!p0 $0xFFFFF086;
	s6 =	sadd.s32 @!p0 s3, s7;
	s7 =	simm.s32 @!p0 $0x108  }
0x21: {  	s3 =	sadd.s32 s3, s9;
	s6 =	sadd.s32 @!p0 $0x88, s6;
	s7 =	simm.s32 @p2 $0x1082  }
0x22: {  	[simem:s7], [sflag:s8] =	dma.local @!p0 [hbm:s6], $0xF7A  }
0x23: {  	s9 =	sor.u32 $0xD0000000, s2;
	s6 =	simm.s32 $0x108;
	_ =	swait.ge @!p0 [sflag:s8], $0x0  }
0x24: {  	s3 =	sadd.s32 $0x88, s3;
	s6 =	simm.s32 @!p1 $0x1082;
	[sflag:s4] =	ssyncset.s32 $0xFFFFF086  }
0x25: {  	[simem:s6], [sflag:s4] =	dma.local [hbm:s3], $0xF7A  }
0x26: {  	[smem:$0x3F9B] =	sst s1;
	(tag) =	ssettag s2;
	_ =	strace s9  }
0x27: {  	s1 =	sld [smem:$0x3FAB]  }
0x28: {  	s2 =	sld [smem:$0x3FAC]  }
0x29: {  	s4 =	sld [smem:$0x3FAE]  }
0x2a: {  	p0 =	seq.s32 s5, $0x0;
	s5 =	sld [smem:$0x3FAF]  }
0x2b: {  	s6 =	sld [smem:$0x3FB0]  }
0x2c: {  	s7 =	sld [smem:$0x3FB1]  }
0x2d: {  	s3 =	simm.s32 $0x108;
	s8 =	sld [smem:$0x3FB2]  }
0x2e: {  	s3 =	simm.s32 @!p0 $0x1082;
	s9 =	sld [smem:$0x3FB3]  }
0x2f: {  	lr =	sadd.s32 s0, s3;
	s0 =	sld [smem:$0x3FAA]  }
0x30: {  	s3 =	sld [smem:$0x3FAD]  }
0x31: {  	[smem:$0x3FB6] =	sst s10  }
0x32: {  	s10 =	sld [smem:$0x3FB4];
	_ =	sdelay $0x3  }
0x33: {  	p0 =	seq.s32 s10, $0x1;
	s10 =	sld [smem:$0x3FB6];
	_ =	sdelay $0x3  }
0x34: {  	[smem:$0x3FB6] =	sst s10  }
0x35: {  	s10 =	sld [smem:$0x3FB5];
	_ =	sdelay $0x3  }
0x36: {  	p1 =	seq.s32 s10, $0x1;
	s10 =	sld [smem:$0x3FB6];
	_ =	sdelay $0x3  }
0x37: {  	[smem:$0x3FB6] =	sst s10  }
0x38: {  	s10 =	sld [smem:$0x3FB7]  }
0x39: {  	_ = 	snop;
	(pc) =	sbr.ind lr, $3  }
0x3a: {  	_ = 	snop  }
0x3b: {  	_ = 	snop  }
0x3c: {  	p2 =	seq.s32 s10, $0x1;
	s10 =	sld [smem:$0x3FB6]  }
0x3d: {  	_ =	shalt  }
0x3e: {  	_ =	shalt  }
0x3f: {  	_ =	shalt  }
0x40: {  	_ =	shalt  }
0x41: {  	_ =	shalt  }
0x42: {  	_ =	shalt  }
0x43: {  	_ =	shalt  }
0x44: {  	_ =	shalt  }
0x45: {  	_ =	shalt  }
0x46: {  	_ =	shalt  }
0x47: {  	_ =	shalt  }
0x48: {  	_ =	shalt  }
0x49: {  	_ =	shalt  }
0x4a: {  	_ =	shalt  }
0x4b: {  	_ =	shalt  }
0x4c: {  	_ =	shalt  }
0x4d: {  	_ =	shalt  }
0x4e: {  	_ =	shalt  }
0x4f: {  	_ =	shalt  }
0x50: {  	_ =	shalt  }
0x51: {  	_ =	shalt  }
0x52: {  	_ =	shalt  }
0x53: {  	_ =	shalt  }
0x54: {  	_ =	shalt  }
0x55: {  	_ =	shalt  }
0x56: {  	_ =	shalt  }
0x57: {  	_ =	shalt  }
0x58: {  	_ =	shalt  }
0x59: {  	_ =	shalt  }
0x5a: {  	_ =	shalt  }
0x5b: {  	_ =	shalt  }
0x5c: {  	_ =	shalt  }
0x5d: {  	_ =	shalt  }
0x5e: {  	_ =	shalt  }
0x5f: {  	_ =	shalt  }
0x60: {  	_ =	shalt  }
0x61: {  	_ =	shalt  }
0x62: {  	_ =	shalt  }
0x63: {  	_ =	shalt  }
0x64: {  	_ =	shalt  }
0x65: {  	_ =	shalt  }
0x66: {  	_ =	shalt  }
0x67: {  	_ =	shalt  }
0x68: {  	_ =	shalt  }
0x69: {  	_ =	shalt  }
0x6a: {  	_ =	shalt  }
0x6b: {  	_ =	shalt  }
0x6c: {  	_ =	shalt  }
0x6d: {  	_ =	shalt  }
0x6e: {  	_ =	shalt  }
0x6f: {  	_ =	shalt  }
0x70: {  	_ =	shalt  }
0x71: {  	_ =	shalt  }
0x72: {  	_ =	shalt  }
0x73: {  	_ =	shalt  }
0x74: {  	_ =	shalt  }
0x75: {  	_ =	shalt  }
0x76: {  	_ =	shalt  }
0x77: {  	_ =	shalt  }
0x78: {  	_ =	shalt  }
0x79: {  	_ =	shalt  }
0x7a: {  	_ =	shalt  }
0x7b: {  	_ =	shalt  }
0x7c: {  	_ =	shalt  }
0x7d: {  	_ =	shalt  }
0x7e: {  	_ =	shalt  }
0x7f: {  	_ =	shalt  }
0x80: {  	_ =	shalt  }
0x81: {  	_ =	shalt  }
0x82: {  	_ =	shalt  }
0x83: {  	_ =	shalt  }
0x84: {  	_ =	shalt  }
0x85: {  	_ =	shalt  }
0x86: {  	_ =	shalt  }
0x87: {  	_ =	shalt  }
.Lfunc_end0:
.L_simem_size_0:
called_computation.2_lowered:
.L_overlay_start_0:
0x88: {  	s2 =	sld [smem:$0x3FD9]  }
0x89: {  	s3 =	sld [smem:$0x3FFE];
	_ =	sdelay $0x1  }
0x8a: {  	s1 =	srdreg.scid  }
0x8b: {  	s0 =	sand.u32 $0x1, s1  }
0x8c: {  	s17 =	sshll.u32 s0, $0xA;
	s2 =	sadd.s32 s3, s2  }
0x8d: {  	s2 =	sadd.s32 s2, s17  }
0x8e: {  	[smem:$0x3FC2] =	sst s2  }
0x8f: {  	_ = 	snop  }
0x90: {  	s2 =	sld [smem:$0x3FD0];
	(tm) =	ssettm $0x1  }
0x91: {  	s18 =	sld [smem:$0x3FFB];
	_ =	sdelay $0x3  }
0x92: {  	_ =	strace s18  }
0x93: {  	s3 =	sld [smem:$0x3FFC];
	_ =	sdelay $0x3  }
0x94: {  	_ =	strace s3  }
0x95: {  	s3 =	sld [smem:$0x3FFD];
	_ =	sdelay $0x3  }
0x96: {  	_ =	strace s3  }
0x97: {  	_ =	strace $0x8FFFFFFF  }
0x98: {  	s19 =	sld [smem:$0x3FDB];
	_ =	sdelay $0x1  }
0x99: {  	s4 =	simm.s32 $_scs_section_size  }
0x9a: {  	s5 =	simm.s32 $_size__tile_overlayer_lowered;
	s6 =	simm.s32 $_tile_overlayer_lowered  }
0x9b: {  	s22 =	simm.s32 $0x1BFF;
	s21 =	sshll.u32 s6, $0x1;
	s3 =	sadd.s32 s4, s19  }
0x9c: {  	s7 =	simm.s32 $0x0;
	s20 =	sshll.u32 s5, $0x1;
	s5 =	sadd.s32 s21, s3  }
0x9d: {  	[timem:s7], [sflag:s22] =	dma.local [hbm:s5], s20  }
0x9e: {  	_ =	swait.ge [sflag:s22], s20  }
0x9f: {  	s4 =	ssub.s32 $0x0, s20;
	[sflag:s22] =	ssyncset.done $0x0  }
0xa0: {  	[sflag:s22] =	ssyncadd.s32 s4;
	_ =	sdelay $0x1  }
0xa1: {  	s23 =	simm.s32 $0x1B8B  }
0xa2: {  	_ =	swait.ge [sflag:s23], $0x1  }
0xa3: {  	[sflag:s23] =	ssyncset.done $0x0  }
0xa4: {  	s25 =	simm.s32 $0x1B8E;
	s24 =	sld [smem:$0x3FFE];
	[sflag:s23] =	ssyncadd.s32 $0xFFFFFFFF  }
0xa5: {  	s26 =	simm.s32 $execute0_lowered;
	[smem:$0x3FD2] =	sst s25  }
0xa6: {  	s5 =	sshll.u32 s26, $0x1;
	_ =	strace $0x8000004C;
	[dreg:$0x1] =	wrdreg $0xFFFFFFFF  }
0xa7: {  	s28 =	simm.s32 $_size_execute0_lowered;
	s3 =	sadd.s32 s3, s5;
	[dreg:$0x0] =	wrdreg $0x0  }
0xa8: {  	s5 =	sshll.u32 s28, $0x1;
	[dreg:$0x2] =	wrdreg s3  }
0xa9: {  	[dreg:$0x3] =	wrdreg s5  }
0xaa: {  	[dreg:$0x4] =	wrdreg $0xC0  }
0xab: {  	_ =	task [dreg:s7], $0x5FFFF  }
0xac: {  	[dreg:$0x1] =	wrdreg $0xFFFFFFFF  }
0xad: {  	[dreg:$0x0] =	wrdreg $0x60  }
0xae: {  	[dreg:$0x2] =	wrdreg s24  }
0xaf: {  	[dreg:$0x3] =	wrdreg s2  }
0xb0: {  	[dreg:$0x4] =	wrdreg $0x81000  }
0xb1: {  	[dreg:$0x5] =	wrdreg $0x9  }
0xb2: {  	_ =	task.clear_ibuf [dreg:s7], $0x6FFFF;
	_ =	strace $0x9000004C  }
0xb3: {  	s29 =	simm.s32 $0x9;
	_ =	strace $0x8000004E  }
0xb4: {  	_ =	swait.ge [sflag:s29], $0x1  }
0xb5: {  	[sflag:s29] =	ssyncadd.s32 $0xFFFFFFFF  }
0xb6: {  	_ =	strace $0x9000004E  }
0xb7: {  	_ =	sfence  }
0xb8: {  	s30 =	sld [smem:$0x0];
	_ =	sdelay $0x2  }
0xb9: {  	s31 =	sshll.u32 s1, $0xD;
	s1 =	sshrl.u32 s1, $0x2  }
0xba: {  	s3 =	sand.u32 $0x4000, s31;
	s1 =	sadd.s32 s1, s30  }
0xbb: {  	s0 =	sor.u32 s3, s0;
	s1 =	sshll.u32 s1, $0x11  }
0xbc: {  	s0 =	sor.u32 s1, s0  }
0xbd: {  	s0 =	sadd.s32 $0x8F2B, s0  }
0xbe: {  	[sflag:s0] =	ssyncadd.remote.s32 $0x1  }
0xbf: {  	_ =	sfence.sel $0xFFFF  }
0xc0: {  	[dreg:$0x0] =	wrdreg $0xFFFFFFFF;
	(pc) =	sbr.abs _section_cstart, $3  }
0xc1: {  	[dreg:$0x1] =	wrdreg $0xFFFFFFFF  }
0xc2: {  	_ =	task.clear_ibuf [dreg:s7], $0x2FFFF;
	_ =	strace $0x9FFFFFFF  }
0xc3: {  	(tm) =	ssettm $0x7FFFFFFF  }
tec
execute0_lowered:
.L_overlay_start_1:
0x0: {  	(tag) =	ssettag $0x1  }
0x1: {  	s5 =	rddreg [dreg:$0x0]  }
0x2: {  	s11 =	rddreg [dreg:$0x1]  }
0x3: {  	s1 =	rddreg [dreg:$0x2]  }
0x4: {  	s2 =	srdreg.scid;
	s0 =	rddreg [dreg:$0x3]  }
0x5: {  	s3 =	simm.s32 $0x0;
	s15 =	simm.s32 $0x2;
	s6 =	sand.u32 $0x1, s2  }
0x6: {  	s16 =	simm.s32 $0x80;
	s2 =	stileid.u32;
	s7 =	smul.u32 $0x140000, s6  }
0x7: {  	s17 =	simm.s32 $0x100;
	s18 =	simm.s32 $0x1;
	s8 =	smul.u32 $0x14000, s2  }
0x8: {  	s21 =	simm.s32 $0x0;
	[smem:$0x7FF] =	sst s3;
	s12 =	smul.u32 $0x4F00, s6  }
0x9: {  	s4 =	sadd.s32 $0x2A00, s5;
	_ =	strace $0x8000004D;
	s30 =	smul.u32 $0x50000, s2  }
0xa: {  	s6 =	ssub.s32 $0x2, s6;
	s14 =	smul.u32 $0x4F0, s2;
	s19 =	sshll.u32 s2, $0x6  }
0xb: {  	s9 =	sshrl.u32 s6, $0x1;
	s19 =	sor.u32 $0x1C02, s19;
	s7 =	sadd.s32 s8, s7  }
0xc: {  	s13 =	sadd.s32 s12, s5;
	s9 =	ssub.s32 s6, s9;
	s31 =	sshrl.u32 s30, $0x2  }
0xd: {  	s12 =	sadd.s32 s12, s11;
	s7 =	sshrl.u32 s7, $0x3;
	s13 =	sadd.s32 s14, s13  }
0xe: {  	s12 =	sadd.s32 s14, s12;
	s14 =	simm.s32 $0x4100;
	s7 =	sadd.s32 s7, s5  }
0xf: {  	s5 =	sadd.s32 s31, s1;
	s13 =	sadd.s32 $0x52A00, s13;
	s6 =	sadd.s32 $0x5C800, s7  }
0x10: {  	s7 =	smax.u32 s9, $0x1;
	s8 =	sadd.s32 $0x4000, s5;
	s9 =	sadd.s32 $0x8000, s5  }
0x11: {  	v0 =	vimm.f32 $0.0e+00;
	s10 =	sadd.s32 $0xC000, s5;
	s11 =	sadd.s32 $0x10000, s5;
	s20 =	sshrl.u32 s5, $0x3  }
.LBB2_1:
0x12: {  	s22 =	simm.s32 $0x0;
	s23 =	simm.s32 $0x200  }
.LBB2_2:
0x13: {  	p0 =	sne.s32 s23, $0xFE00;
	[tilespmem:s22+$0x4170] =	vst v0  }
0x14: {  	[tilespmem:s22+$0x4100] =	vst v0  }
0x15: {  	[tilespmem:s22+$0x4110] =	vst v0  }
.Ltmp0:
0x16: {  	[tilespmem:s22+$0x4120] =	vst v0;
	(pc) =	sbr.rel @p0 .LBB2_2-.Ltmp0, $4  }
0x17: {  	[tilespmem:s22+$0x4130] =	vst v0  }
0x18: {  	[tilespmem:s22+$0x4140] =	vst v0  }
0x19: {  	[tilespmem:s22+$0x4150] =	vst v0  }
0x1a: {  	[tilespmem:s22+$0x4160] =	vst v0;
	s22 =	sshra.s32 s23, $0x2;
	s23 =	sadd.s32 $0x200, s23  }
0x1b: {  	[tilespmem:s22+$0x4170] =	vst v0  }
0x1c: {  	[tilespmem:s22+$0x4100] =	vst v0  }
0x1d: {  	[tilespmem:s22+$0x4110] =	vst v0  }
0x1e: {  	[tilespmem:s22+$0x4120] =	vst v0  }
0x1f: {  	[tilespmem:s22+$0x4130] =	vst v0  }
0x20: {  	[tilespmem:s22+$0x4140] =	vst v0  }
0x21: {  	[tilespmem:s22+$0x4150] =	vst v0  }
0x22: {  	[tilespmem:s22+$0x4160] =	vst v0  }
0x23: {  	[spmem:s5] =	stream.linear.scatter [tilespmem:s14], [sflag:$0x2], $0x4000, $0x38;
	[tilespmem:$0x1C100] =	vst v63  }
0x24: {  	_ =	swait.ge [sflag:s15], $0x4000  }
0x25: {  	[sflag:s15] =	ssyncset.done $0x0  }
0x26: {  	[sflag:s15] =	ssyncadd.s32 $0xFFFFC000  }
0x27: {  	[spmem:s8] =	stream.linear.scatter [tilespmem:s14], [sflag:$0x2], $0x4000, $0x38;
	[tilespmem:$0x1C100] =	vst v63  }
0x28: {  	_ =	swait.ge [sflag:s15], $0x4000  }
0x29: {  	[sflag:s15] =	ssyncset.done $0x0  }
0x2a: {  	[sflag:s15] =	ssyncadd.s32 $0xFFFFC000  }
0x2b: {  	[spmem:s9] =	stream.linear.scatter [tilespmem:s14], [sflag:$0x2], $0x4000, $0x38;
	[tilespmem:$0x1C100] =	vst v63  }
0x2c: {  	_ =	swait.ge [sflag:s15], $0x4000  }
0x2d: {  	[sflag:s15] =	ssyncset.done $0x0  }
0x2e: {  	[sflag:s15] =	ssyncadd.s32 $0xFFFFC000  }
0x2f: {  	[spmem:s10] =	stream.linear.scatter [tilespmem:s14], [sflag:$0x2], $0x4000, $0x38;
	[tilespmem:$0x1C100] =	vst v63  }
0x30: {  	_ =	swait.ge [sflag:s15], $0x4000  }
0x31: {  	[sflag:s15] =	ssyncset.done $0x0  }
0x32: {  	[sflag:s15] =	ssyncadd.s32 $0xFFFFC000  }
0x33: {  	[spmem:s11] =	stream.linear.scatter [tilespmem:s14], [sflag:$0x2], $0x4000, $0x38;
	[tilespmem:$0x1C100] =	vst v63  }
0x34: {  	_ =	swait.ge [sflag:s15], $0x4000  }
0x35: {  	[sflag:s15] =	ssyncset.done $0x0  }
0x36: {  	[sflag:s15] =	ssyncadd.s32 $0xFFFFC000  }
0x37: {  	s30 =	sadd.s32 $0x0, s13;
	[bflag:$0x0] =	sbarrier.arrive $0xFFFF  }
0x38: {  	[tilespmem:s3], [sflag:$0x2] =	stream.linear.gather [hbm4b:s30+s3], $0x80, $0x38;
	[tilespmem:$0x1C100] =	vst v63  }
0x39: {  	_ =	swait.ge [sflag:s15], $0x80  }
0x3a: {  	[sflag:s15] =	ssyncset.done $0x0  }
0x3b: {  	s31 =	sadd.s32 $0x0, s12;
	[sflag:s15] =	ssyncadd.s32 $0xFFFFFF80  }
0x3c: {  	[tilespmem:s16], [sflag:$0x2] =	stream.linear.gather [hbm4b:s31+s3], $0x80, $0x38;
	[tilespmem:$0x1C100] =	vst v63  }
0x3d: {  	_ =	swait.ge [sflag:s15], $0x80  }
0x3e: {  	[sflag:s15] =	ssyncset.done $0x0  }
0x3f: {  	[sflag:s15] =	ssyncadd.s32 $0xFFFFFF80  }
0x40: {  	[tilespmem:s17], [sflag:$0x1] =	stream.indirect.gather [hbm4b:s4+s16], $0x80, s3, s16, $0xb8;
	[tilespmem:$0x1C100] =	vst v63  }
0x41: {  	_ =	swait.ge [sflag:s18], $0x4000  }
0x42: {  	[sflag:s18] =	ssyncset.done $0x0  }
0x43: {  	[sflag:s18] =	ssyncadd.s32 $0xFFFFC000  }
0x44: {  	[spmem:s1] =	stream.indirect.scatter.add.f32 [tilespmem:s17], [sflag:$0x2], $0x80, s16, s16, $0xb8;
	[tilespmem:$0x1C100] =	vst v63  }
0x45: {  	_ =	swait.ge [sflag:s15], $0x4000  }
0x46: {  	s22 =	simm.s32 $0x10;
	s23 =	simm.s32 $0x20;
	[sflag:s15] =	ssyncset.done $0x0  }
.LBB2_4:
0x47: {  	s24 =	sadd.s32 s22, s13  }
0x48: {  	[sflag:s15] =	ssyncadd.s32 $0xFFFFC000;
	s25 =	smov.u32 s23;
	s26 =	sadd.s32 $0x10, s23  }
0x49: {  	[tilespmem:s3], [sflag:$0x2] =	stream.linear.gather [hbm4b:s24+s3], $0x80, $0x38;
	[tilespmem:$0x1C100] =	vst v63  }
0x4a: {  	p0 =	sne.s32 s23, $0x4E0;
	_ =	swait.ge [sflag:s15], $0x80  }
0x4b: {  	[sflag:s15] =	ssyncset.done $0x0  }
0x4c: {  	s23 =	sadd.s32 s22, s12;
	s22 =	smov.u32 s25;
	[sflag:s15] =	ssyncadd.s32 $0xFFFFFF80  }
0x4d: {  	[tilespmem:s16], [sflag:$0x2] =	stream.linear.gather [hbm4b:s23+s3], $0x80, $0x38;
	[tilespmem:$0x1C100] =	vst v63  }
0x4e: {  	_ =	swait.ge [sflag:s15], $0x80  }
0x4f: {  	[sflag:s15] =	ssyncset.done $0x0  }
0x50: {  	[sflag:s15] =	ssyncadd.s32 $0xFFFFFF80  }
0x51: {  	[tilespmem:s17], [sflag:$0x1] =	stream.indirect.gather [hbm4b:s4+s16], $0x80, s3, s16, $0xb8;
	[tilespmem:$0x1C100] =	vst v63  }
0x52: {  	_ =	swait.ge [sflag:s18], $0x4000  }
.Ltmp1:
0x53: {  	[sflag:s18] =	ssyncset.done $0x0;
	(pc) =	sbr.rel @p0 .LBB2_4-.Ltmp1, $4  }
0x54: {  	[sflag:s18] =	ssyncadd.s32 $0xFFFFC000  }
0x55: {  	[spmem:s1] =	stream.indirect.scatter.add.f32 [tilespmem:s17], [sflag:$0x2], $0x80, s16, s16, $0xb8;
	[tilespmem:$0x1C100] =	vst v63  }
0x56: {  	_ =	swait.ge [sflag:s15], $0x4000  }
0x57: {  	s23 =	smov.u32 s26;
	[sflag:s15] =	ssyncset.done $0x0  }
0x58: {  	s23 =	sadd.s32 s22, s13;
	[sflag:s15] =	ssyncadd.s32 $0xFFFFC000  }
0x59: {  	[tilespmem:s3], [sflag:$0x2] =	stream.linear.gather [hbm4b:s23+s3], $0x80, $0x38;
	[tilespmem:$0x1C100] =	vst v63  }
0x5a: {  	_ =	swait.ge [sflag:s15], $0x80  }
0x5b: {  	[sflag:s15] =	ssyncset.done $0x0  }
0x5c: {  	s31 =	sadd.s32 s22, s12;
	[sflag:s15] =	ssyncadd.s32 $0xFFFFFF80  }
0x5d: {  	[tilespmem:s16], [sflag:$0x2] =	stream.linear.gather [hbm4b:s31+s3], $0x80, $0x38;
	[tilespmem:$0x1C100] =	vst v63  }
0x5e: {  	_ =	swait.ge [sflag:s15], $0x80  }
0x5f: {  	[sflag:s15] =	ssyncset.done $0x0  }
0x60: {  	[sflag:s15] =	ssyncadd.s32 $0xFFFFFF80  }
0x61: {  	[tilespmem:s17], [sflag:$0x1] =	stream.indirect.gather [hbm4b:s4+s16], $0x80, s3, s16, $0xb8;
	[tilespmem:$0x1C100] =	vst v63  }
0x62: {  	_ =	swait.ge [sflag:s18], $0x4000  }
0x63: {  	[sflag:s18] =	ssyncset.done $0x0  }
0x64: {  	[sflag:s18] =	ssyncadd.s32 $0xFFFFC000  }
0x65: {  	[spmem:s1] =	stream.indirect.scatter.add.f32 [tilespmem:s17], [sflag:$0x2], $0x80, s16, s16, $0xb8;
	[tilespmem:$0x1C100] =	vst v63  }
0x66: {  	_ =	swait.ge [sflag:s15], $0x4000  }
0x67: {  	s21 =	sadd.s32 $0x1, s21;
	[sflag:s15] =	ssyncset.done $0x0  }
0x68: {  	p0 =	sne.s32 s21, s7;
	[sflag:s15] =	ssyncadd.s32 $0xFFFFC000  }
.Ltmp2:
0x69: {  	[bflag:$0x0] =	sbarrier.arrive $0xFFFF;
	(pc) =	sbr.rel @p0 .LBB2_1-.Ltmp2, $4  }
0x6a: {  	[hbm:s6], [sflag:s19] =	dma.local [spmem:s20], $0x2800  }
0x6b: {  	_ =	swait.ge [sflag:s15], $0x2800  }
0x6c: {  	[sflag:s15] =	ssyncset.done $0x0  }
0x6d: {  	[sflag:s15] =	ssyncadd.s32 $0xFFFFD800  }
0x6e: {  	_ =	sfence.sel $0x180000  }
0x6f: {  	[bflag:$0x0] =	sbarrier.arrive $0xFFFF  }
0x70: {  	p0 =	sne.s32 s2, $0x0;
	_ =	strace $0x9000004D  }
0x71: {  	s0 =	sadd.s32 @!p0 $0x100000, s0;
	[bflag:$0x2] =	sbarrier.arrive $0xFFFF  }
0x72: {  	[sflag:s0] =	ssyncadd.tile.s32 @!p0 $0x1;
	_ =	shalt  }
.Lfunc_end2:
_tile_overlayer_lowered:
.L_overlay_start_2:
0x73: {  	(tag) =	ssettag $0x2  }
0x74: {  	s0 =	rddreg [dreg:$0x0];
	s2 =	stileid.u32  }
0x75: {  	s1 =	rddreg [dreg:$0x1];
	p0 =	sne.s32 s2, $0x0  }
0x76: {  	s3 =	rddreg [dreg:$0x2];
	[bflag:$0x3] =	sbarrier.arrive $0xFFFF;
	s2 =	simm.s32 @!p0 $0x1C02  }
0x77: {  	[timem:s3], [sflag:s2] =	dma.local @!p0 [hbm:s0], s1  }
0x78: {  	s0 =	simm.s32 @!p0 $0x2  }
0x79: {  	_ =	swait.ge @!p0 [sflag:s0], s1  }
0x7a: {  	s1 =	ssub.s32 @!p0 $0x0, s1;
	[sflag:s0] =	ssyncset.done @!p0 $0x0  }
0x7b: {  	[sflag:s0] =	ssyncadd.s32 @!p0 s1  }
0x7c: {  	[bflag:$0x3] =	sbarrier.arrive $0xFFFF  }
0x7d: {  	_ =	shalt  }

// kernel: kernel.8.cloned.1.call-start
scs
__scs_entry_jumppad:
0x0: {  	(pc) =	sbr.rel $0x88, $3  }
0x1: {  	(tag) =	ssettag $0x0;
	lr =	simm.s32 $0x1  }
0x2: {  	[smem:$0x3F9B] =	sst lr;
	_ =	strace $0xD0000000  }
0x3: {  	_ = 	snop  }
0x4: {  	_ = 	snop  }
0x5: {  	_ = 	snop  }
0x6: {  	_ = 	snop  }
0x7: {  	_ = 	snop  }
__scs_overlays_trampoline_lowered:
0x8: {  	[smem:$0x3FAA] =	sst s0  }
0x9: {  	[smem:$0x3FAB] =	sst s1  }
0xa: {  	[smem:$0x3FAC] =	sst s2  }
0xb: {  	[smem:$0x3FAD] =	sst s3  }
0xc: {  	[smem:$0x3FAE] =	sst s4  }
0xd: {  	[smem:$0x3FAF] =	sst s5  }
0xe: {  	[smem:$0x3FB0] =	sst s6  }
0xf: {  	[smem:$0x3FB1] =	sst s7  }
0x10: {  	[smem:$0x3FB2] =	sst s8  }
0x11: {  	[smem:$0x3FB3] =	sst s9;
	s0 =	simm.s32 @!p0 $0x0  }
0x12: {  	s1 =	sld [smem:$0x3F99];
	s0 =	simm.s32 @p0 $0x1  }
0x13: {  	[smem:$0x3FB4] =	sst s0;
	s0 =	simm.s32 @!p1 $0x0  }
0x14: {  	s2 =	sld [smem:$0x3F98];
	s0 =	simm.s32 @p1 $0x1  }
0x15: {  	[smem:$0x3FB5] =	sst s0;
	s0 =	simm.s32 @!p2 $0x0  }
0x16: {  	s3 =	sld [smem:$0x3FDB];
	s0 =	simm.s32 @p2 $0x1  }
0x17: {  	s4 =	simm.s32 $0x1BF5;
	[smem:$0x3FB7] =	sst s0  }
0x18: {  	s0 =	sld [smem:$0x3F9A];
	_ =	swait.ge [sflag:s4], $0x0  }
0x19: {  	s7 =	sld [smem:$0x3F9B]  }
0x1a: {  	s8 =	sadd.s32 $0xFFFFE003, lr  }
0x1b: {  	s9 =	sadd.s32 $0xFFFFFEF7, lr;
	s5 =	simm.s32 $0xFFFFFFFF;
	p2 =	slt.u32 s8, $0xFFFFF086  }
0x1c: {  	p1 =	slt.u32 s9, $0xF7A;
	s5 =	simm.s32 @!p2 $0x0  }
0x1d: {  	s5 =	simm.s32 @p1 $0x1;
	p0 =	seq.s32 s7, s2  }
0x1e: {  	s7 =	smul.u32 @!p0 $0xF7A, s2;
	p2 =	seq.s32 @!p0 s5, $0x0  }
0x1f: {  	s9 =	smul.u32 $0xF7A, s1;
	s8 =	simm.s32 @!p0 $0x1BF5;
	p2 =	por !p2, p0  }
0x20: {  	[sflag:s8] =	ssyncset.s32 @!p0 $0xFFFFF086;
	s6 =	sadd.s32 @!p0 s3, s7;
	s7 =	simm.s32 @!p0 $0x108  }
0x21: {  	s3 =	sadd.s32 s3, s9;
	s6 =	sadd.s32 @!p0 $0x88, s6;
	s7 =	simm.s32 @p2 $0x1082  }
0x22: {  	[simem:s7], [sflag:s8] =	dma.local @!p0 [hbm:s6], $0xF7A  }
0x23: {  	s9 =	sor.u32 $0xD0000000, s2;
	s6 =	simm.s32 $0x108;
	_ =	swait.ge @!p0 [sflag:s8], $0x0  }
0x24: {  	s3 =	sadd.s32 $0x88, s3;
	s6 =	simm.s32 @!p1 $0x1082;
	[sflag:s4] =	ssyncset.s32 $0xFFFFF086  }
0x25: {  	[simem:s6], [sflag:s4] =	dma.local [hbm:s3], $0xF7A  }
0x26: {  	[smem:$0x3F9B] =	sst s1;
	(tag) =	ssettag s2;
	_ =	strace s9  }
0x27: {  	s1 =	sld [smem:$0x3FAB]  }
0x28: {  	s2 =	sld [smem:$0x3FAC]  }
0x29: {  	s4 =	sld [smem:$0x3FAE]  }
0x2a: {  	p0 =	seq.s32 s5, $0x0;
	s5 =	sld [smem:$0x3FAF]  }
0x2b: {  	s6 =	sld [smem:$0x3FB0]  }
0x2c: {  	s7 =	sld [smem:$0x3FB1]  }
0x2d: {  	s3 =	simm.s32 $0x108;
	s8 =	sld [smem:$0x3FB2]  }
0x2e: {  	s3 =	simm.s32 @!p0 $0x1082;
	s9 =	sld [smem:$0x3FB3]  }
0x2f: {  	lr =	sadd.s32 s0, s3;
	s0 =	sld [smem:$0x3FAA]  }
0x30: {  	s3 =	sld [smem:$0x3FAD]  }
0x31: {  	[smem:$0x3FB6] =	sst s10  }
0x32: {  	s10 =	sld [smem:$0x3FB4];
	_ =	sdelay $0x3  }
0x33: {  	p0 =	seq.s32 s10, $0x1;
	s10 =	sld [smem:$0x3FB6];
	_ =	sdelay $0x3  }
0x34: {  	[smem:$0x3FB6] =	sst s10  }
0x35: {  	s10 =	sld [smem:$0x3FB5];
	_ =	sdelay $0x3  }
0x36: {  	p1 =	seq.s32 s10, $0x1;
	s10 =	sld [smem:$0x3FB6];
	_ =	sdelay $0x3  }
0x37: {  	[smem:$0x3FB6] =	sst s10  }
0x38: {  	s10 =	sld [smem:$0x3FB7]  }
0x39: {  	_ = 	snop;
	(pc) =	sbr.ind lr, $3  }
0x3a: {  	_ = 	snop  }
0x3b: {  	_ = 	snop  }
0x3c: {  	p2 =	seq.s32 s10, $0x1;
	s10 =	sld [smem:$0x3FB6]  }
0x3d: {  	_ =	shalt  }
0x3e: {  	_ =	shalt  }
0x3f: {  	_ =	shalt  }
0x40: {  	_ =	shalt  }
0x41: {  	_ =	shalt  }
0x42: {  	_ =	shalt  }
0x43: {  	_ =	shalt  }
0x44: {  	_ =	shalt  }
0x45: {  	_ =	shalt  }
0x46: {  	_ =	shalt  }
0x47: {  	_ =	shalt  }
0x48: {  	_ =	shalt  }
0x49: {  	_ =	shalt  }
0x4a: {  	_ =	shalt  }
0x4b: {  	_ =	shalt  }
0x4c: {  	_ =	shalt  }
0x4d: {  	_ =	shalt  }
0x4e: {  	_ =	shalt  }
0x4f: {  	_ =	shalt  }
0x50: {  	_ =	shalt  }
0x51: {  	_ =	shalt  }
0x52: {  	_ =	shalt  }
0x53: {  	_ =	shalt  }
0x54: {  	_ =	shalt  }
0x55: {  	_ =	shalt  }
0x56: {  	_ =	shalt  }
0x57: {  	_ =	shalt  }
0x58: {  	_ =	shalt  }
0x59: {  	_ =	shalt  }
0x5a: {  	_ =	shalt  }
0x5b: {  	_ =	shalt  }
0x5c: {  	_ =	shalt  }
0x5d: {  	_ =	shalt  }
0x5e: {  	_ =	shalt  }
0x5f: {  	_ =	shalt  }
0x60: {  	_ =	shalt  }
0x61: {  	_ =	shalt  }
0x62: {  	_ =	shalt  }
0x63: {  	_ =	shalt  }
0x64: {  	_ =	shalt  }
0x65: {  	_ =	shalt  }
0x66: {  	_ =	shalt  }
0x67: {  	_ =	shalt  }
0x68: {  	_ =	shalt  }
0x69: {  	_ =	shalt  }
0x6a: {  	_ =	shalt  }
0x6b: {  	_ =	shalt  }
0x6c: {  	_ =	shalt  }
0x6d: {  	_ =	shalt  }
0x6e: {  	_ =	shalt  }
0x6f: {  	_ =	shalt  }
0x70: {  	_ =	shalt  }
0x71: {  	_ =	shalt  }
0x72: {  	_ =	shalt  }
0x73: {  	_ =	shalt  }
0x74: {  	_ =	shalt  }
0x75: {  	_ =	shalt  }
0x76: {  	_ =	shalt  }
0x77: {  	_ =	shalt  }
0x78: {  	_ =	shalt  }
0x79: {  	_ =	shalt  }
0x7a: {  	_ =	shalt  }
0x7b: {  	_ =	shalt  }
0x7c: {  	_ =	shalt  }
0x7d: {  	_ =	shalt  }
0x7e: {  	_ =	shalt  }
0x7f: {  	_ =	shalt  }
0x80: {  	_ =	shalt  }
0x81: {  	_ =	shalt  }
0x82: {  	_ =	shalt  }
0x83: {  	_ =	shalt  }
0x84: {  	_ =	shalt  }
0x85: {  	_ =	shalt  }
0x86: {  	_ =	shalt  }
0x87: {  	_ =	shalt  }
.Lfunc_end0:
.L_simem_size_0:
called_computation_lowered:
.L_overlay_start_0:
0x88: {  	s2 =	sld [smem:$0x3FD9]  }
0x89: {  	s3 =	sld [smem:$0x3FFE];
	_ =	sdelay $0x1  }
0x8a: {  	s1 =	srdreg.scid  }
0x8b: {  	s0 =	sand.u32 $0x1, s1  }
0x8c: {  	s17 =	sshll.u32 s0, $0xA;
	s2 =	sadd.s32 s3, s2  }
0x8d: {  	s2 =	sadd.s32 s2, s17  }
0x8e: {  	[smem:$0x3FC2] =	sst s2  }
0x8f: {  	_ = 	snop  }
0x90: {  	s2 =	sld [smem:$0x3FD0];
	(tm) =	ssettm $0x1  }
0x91: {  	s18 =	sld [smem:$0x3FFB];
	_ =	sdelay $0x3  }
0x92: {  	_ =	strace s18  }
0x93: {  	s3 =	sld [smem:$0x3FFC];
	_ =	sdelay $0x3  }
0x94: {  	_ =	strace s3  }
0x95: {  	s3 =	sld [smem:$0x3FFD];
	_ =	sdelay $0x3  }
0x96: {  	_ =	strace s3  }
0x97: {  	_ =	strace $0x8FFFFFFF  }
0x98: {  	s19 =	sld [smem:$0x3FDB];
	_ =	sdelay $0x1  }
0x99: {  	s4 =	simm.s32 $_scs_section_size  }
0x9a: {  	s5 =	simm.s32 $_size__tile_overlayer_lowered;
	s6 =	simm.s32 $_tile_overlayer_lowered  }
0x9b: {  	s22 =	simm.s32 $0x1BFF;
	s21 =	sshll.u32 s6, $0x1;
	s3 =	sadd.s32 s4, s19  }
0x9c: {  	s7 =	simm.s32 $0x0;
	s20 =	sshll.u32 s5, $0x1;
	s5 =	sadd.s32 s21, s3  }
0x9d: {  	[timem:s7], [sflag:s22] =	dma.local [hbm:s5], s20  }
0x9e: {  	_ =	swait.ge [sflag:s22], s20  }
0x9f: {  	s4 =	ssub.s32 $0x0, s20;
	[sflag:s22] =	ssyncset.done $0x0  }
0xa0: {  	[sflag:s22] =	ssyncadd.s32 s4;
	_ =	sdelay $0x1  }
0xa1: {  	s23 =	simm.s32 $0x1B8B  }
0xa2: {  	_ =	swait.ge [sflag:s23], $0x1  }
0xa3: {  	[sflag:s23] =	ssyncset.done $0x0  }
0xa4: {  	s25 =	simm.s32 $0x1B8E;
	s24 =	sld [smem:$0x3FFE];
	[sflag:s23] =	ssyncadd.s32 $0xFFFFFFFF  }
0xa5: {  	s26 =	simm.s32 $execute0_lowered;
	[smem:$0x3FD2] =	sst s25  }
0xa6: {  	s5 =	sshll.u32 s26, $0x1;
	_ =	strace $0x80000046;
	[dreg:$0x1] =	wrdreg $0xFFFFFFFF  }
0xa7: {  	s28 =	simm.s32 $_size_execute0_lowered;
	s3 =	sadd.s32 s3, s5;
	[dreg:$0x0] =	wrdreg $0x0  }
0xa8: {  	s5 =	sshll.u32 s28, $0x1;
	[dreg:$0x2] =	wrdreg s3  }
0xa9: {  	[dreg:$0x3] =	wrdreg s5  }
0xaa: {  	[dreg:$0x4] =	wrdreg $0xC0  }
0xab: {  	_ =	task [dreg:s7], $0x5FFFF  }
0xac: {  	[dreg:$0x1] =	wrdreg $0xFFFFFFFF  }
0xad: {  	[dreg:$0x0] =	wrdreg $0x60  }
0xae: {  	[dreg:$0x2] =	wrdreg s2  }
0xaf: {  	[dreg:$0x3] =	wrdreg s24  }
0xb0: {  	[dreg:$0x4] =	wrdreg $0x80800  }
0xb1: {  	[dreg:$0x5] =	wrdreg $0x9  }
0xb2: {  	_ =	task.clear_ibuf [dreg:s7], $0x6FFFF;
	_ =	strace $0x90000046  }
0xb3: {  	s29 =	simm.s32 $0x9;
	_ =	strace $0x80000048  }
0xb4: {  	_ =	swait.ge [sflag:s29], $0x1  }
0xb5: {  	[sflag:s29] =	ssyncadd.s32 $0xFFFFFFFF  }
0xb6: {  	_ =	strace $0x90000048  }
0xb7: {  	_ =	sfence  }
0xb8: {  	s30 =	sld [smem:$0x0];
	_ =	sdelay $0x2  }
0xb9: {  	s31 =	sshll.u32 s1, $0xD;
	s1 =	sshrl.u32 s1, $0x2  }
0xba: {  	s3 =	sand.u32 $0x4000, s31;
	s1 =	sadd.s32 s1, s30  }
0xbb: {  	s0 =	sor.u32 s3, s0;
	s1 =	sshll.u32 s1, $0x11  }
0xbc: {  	s0 =	sor.u32 s1, s0  }
0xbd: {  	s0 =	sadd.s32 $0x8F2B, s0  }
0xbe: {  	[sflag:s0] =	ssyncadd.remote.s32 $0x1  }
0xbf: {  	_ =	sfence.sel $0xFFFF  }
0xc0: {  	[dreg:$0x0] =	wrdreg $0xFFFFFFFF;
	(pc) =	sbr.abs _section_cstart, $3  }
0xc1: {  	[dreg:$0x1] =	wrdreg $0xFFFFFFFF  }
0xc2: {  	_ =	task.clear_ibuf [dreg:s7], $0x2FFFF;
	_ =	strace $0x9FFFFFFF  }
0xc3: {  	(tm) =	ssettm $0x7FFFFFFF  }
tec
execute0_lowered:
.L_overlay_start_1:
0x0: {  	(tag) =	ssettag $0x1  }
0x1: {  	s10 =	rddreg [dreg:$0x0]  }
0x2: {  	s4 =	rddreg [dreg:$0x1];
	s0 =	srdreg.scid  }
0x3: {  	s2 =	rddreg [dreg:$0x2];
	s1 =	stileid.u32  }
0x4: {  	s3 =	simm.s32 $0x0;
	s13 =	simm.s32 $0x1;
	s7 =	smul.u32 $0x14000, s1  }
0x5: {  	s14 =	simm.s32 $0x80;
	s17 =	simm.s32 $0x0;
	s8 =	smul.u32 $0x50000, s1  }
0x6: {  	s6 =	sand.u32 $0x1, s0;
	s0 =	rddreg [dreg:$0x3];
	s12 =	smul.u32 $0x4F0, s1  }
0x7: {  	[smem:$0x7FF] =	sst s3;
	s15 =	sshll.u32 s1, $0x6;
	s5 =	smul.u32 $0x140000, s6  }
0x8: {  	s30 =	ssub.s32 $0x2, s6;
	_ =	strace $0x80000047;
	s11 =	smul.u32 $0x4F00, s6  }
0x9: {  	s15 =	sor.u32 $0x1C01, s15;
	s9 =	sshrl.u32 s30, $0x1;
	s31 =	sshrl.u32 s8, $0x2  }
0xa: {  	s5 =	sadd.s32 s7, s5;
	s7 =	ssub.s32 s30, s9;
	s11 =	sadd.s32 s11, s10  }
0xb: {  	s5 =	sshrl.u32 s5, $0x3;
	s6 =	smax.u32 s7, $0x1;
	s11 =	sadd.s32 s12, s11  }
0xc: {  	s12 =	simm.s32 $0x4080;
	s5 =	sadd.s32 s5, s4;
	s4 =	sadd.s32 s31, s2  }
0xd: {  	s5 =	sadd.s32 $0x2A00, s5;
	s7 =	sadd.s32 $0x4000, s4;
	s8 =	sadd.s32 $0x8000, s4  }
0xe: {  	v0 =	vimm.f32 $1.000000000e+00;
	v1 =	vimm.f32 $0.0e+00;
	s9 =	sadd.s32 $0xC000, s4;
	s10 =	sadd.s32 $0x10000, s4;
	s16 =	sshrl.u32 s4, $0x3  }
.LBB2_1:
0xf: {  	s18 =	simm.s32 $0x200;
	s19 =	simm.s32 $0x0  }
.LBB2_2:
0x10: {  	p0 =	sne.s32 s18, $0xFE00;
	[tilespmem:s19+$0x80] =	vst v0;
	s20 =	smov.u32 s18;
	s18 =	sadd.s32 $0x200, s18  }
.Ltmp0:
0x11: {  	[tilespmem:s19+$0x4080] =	vst v1;
	(pc) =	sbr.rel @p0 .LBB2_2-.Ltmp0, $2  }
0x12: {  	_ =	sdelay $0x2  }
0x13: {  	s19 =	sshra.s32 s20, $0x2  }
0x14: {  	[tilespmem:s19+$0x80] =	vst v0  }
0x15: {  	[tilespmem:s19+$0x4080] =	vst v1  }
0x16: {  	[spmem:s4] =	stream.linear.scatter [tilespmem:s12], [sflag:$0x1], $0x4000, $0x38;
	[tilespmem:$0xA880] =	vst v63  }
0x17: {  	_ =	swait.ge [sflag:s13], $0x4000  }
0x18: {  	[sflag:s13] =	ssyncset.done $0x0  }
0x19: {  	[sflag:s13] =	ssyncadd.s32 $0xFFFFC000  }
0x1a: {  	[spmem:s7] =	stream.linear.scatter [tilespmem:s12], [sflag:$0x1], $0x4000, $0x38;
	[tilespmem:$0xA880] =	vst v63  }
0x1b: {  	_ =	swait.ge [sflag:s13], $0x4000  }
0x1c: {  	[sflag:s13] =	ssyncset.done $0x0  }
0x1d: {  	[sflag:s13] =	ssyncadd.s32 $0xFFFFC000  }
0x1e: {  	[spmem:s8] =	stream.linear.scatter [tilespmem:s12], [sflag:$0x1], $0x4000, $0x38;
	[tilespmem:$0xA880] =	vst v63  }
0x1f: {  	_ =	swait.ge [sflag:s13], $0x4000  }
0x20: {  	[sflag:s13] =	ssyncset.done $0x0  }
0x21: {  	[sflag:s13] =	ssyncadd.s32 $0xFFFFC000  }
0x22: {  	[spmem:s9] =	stream.linear.scatter [tilespmem:s12], [sflag:$0x1], $0x4000, $0x38;
	[tilespmem:$0xA880] =	vst v63  }
0x23: {  	_ =	swait.ge [sflag:s13], $0x4000  }
0x24: {  	[sflag:s13] =	ssyncset.done $0x0  }
0x25: {  	[sflag:s13] =	ssyncadd.s32 $0xFFFFC000  }
0x26: {  	[spmem:s10] =	stream.linear.scatter [tilespmem:s12], [sflag:$0x1], $0x4000, $0x38;
	[tilespmem:$0xA880] =	vst v63  }
0x27: {  	_ =	swait.ge [sflag:s13], $0x4000  }
0x28: {  	[sflag:s13] =	ssyncset.done $0x0  }
0x29: {  	[sflag:s13] =	ssyncadd.s32 $0xFFFFC000  }
0x2a: {  	s18 =	sadd.s32 $0x0, s11;
	[bflag:$0x0] =	sbarrier.arrive $0xFFFF  }
0x2b: {  	[tilespmem:s3], [sflag:$0x1] =	stream.linear.gather [hbm4b:s18+s3], $0x80, $0x38;
	[tilespmem:$0xA880] =	vst v63  }
0x2c: {  	_ =	swait.ge [sflag:s13], $0x80  }
0x2d: {  	[sflag:s13] =	ssyncset.done $0x0  }
0x2e: {  	[sflag:s13] =	ssyncadd.s32 $0xFFFFFF80  }
0x2f: {  	[spmem:s2] =	stream.indirect.scatter.add.f32 [tilespmem:s14], [sflag:$0x1], $0x10, s3, s14, $0xb8;
	[tilespmem:$0xA880] =	vst v63  }
0x30: {  	_ =	swait.ge [sflag:s13], $0x800  }
0x31: {  	s19 =	simm.s32 $0x20;
	s18 =	simm.s32 $0x10;
	[sflag:s13] =	ssyncset.done $0x0  }
.LBB2_4:
0x32: {  	s20 =	sadd.s32 s18, s11  }
0x33: {  	[sflag:s13] =	ssyncadd.s32 $0xFFFFF800;
	s18 =	smov.u32 s19;
	s21 =	sadd.s32 $0x10, s19  }
0x34: {  	[tilespmem:s3], [sflag:$0x1] =	stream.linear.gather [hbm4b:s20+s3], $0x80, $0x38;
	[tilespmem:$0xA880] =	vst v63  }
0x35: {  	p0 =	sne.s32 s19, $0x4E0;
	_ =	swait.ge [sflag:s13], $0x80  }
.Ltmp1:
0x36: {  	[sflag:s13] =	ssyncset.done $0x0;
	(pc) =	sbr.rel @p0 .LBB2_4-.Ltmp1, $4  }
0x37: {  	[sflag:s13] =	ssyncadd.s32 $0xFFFFFF80  }
0x38: {  	[spmem:s2] =	stream.indirect.scatter.add.f32 [tilespmem:s14], [sflag:$0x1], $0x10, s3, s14, $0xb8;
	[tilespmem:$0xA880] =	vst v63  }
0x39: {  	_ =	swait.ge [sflag:s13], $0x800  }
0x3a: {  	s19 =	smov.u32 s21;
	[sflag:s13] =	ssyncset.done $0x0  }
0x3b: {  	s18 =	sadd.s32 s18, s11;
	[sflag:s13] =	ssyncadd.s32 $0xFFFFF800  }
0x3c: {  	[tilespmem:s3], [sflag:$0x1] =	stream.linear.gather [hbm4b:s18+s3], $0x80, $0x38;
	[tilespmem:$0xA880] =	vst v63  }
0x3d: {  	_ =	swait.ge [sflag:s13], $0x80  }
0x3e: {  	[sflag:s13] =	ssyncset.done $0x0  }
0x3f: {  	[sflag:s13] =	ssyncadd.s32 $0xFFFFFF80  }
0x40: {  	[spmem:s2] =	stream.indirect.scatter.add.f32 [tilespmem:s14], [sflag:$0x1], $0x10, s3, s14, $0xb8;
	[tilespmem:$0xA880] =	vst v63  }
0x41: {  	_ =	swait.ge [sflag:s13], $0x800  }
0x42: {  	s17 =	sadd.s32 $0x1, s17;
	[sflag:s13] =	ssyncset.done $0x0  }
0x43: {  	p0 =	sne.s32 s17, s6;
	[sflag:s13] =	ssyncadd.s32 $0xFFFFF800  }
.Ltmp2:
0x44: {  	[bflag:$0x0] =	sbarrier.arrive $0xFFFF;
	(pc) =	sbr.rel @p0 .LBB2_1-.Ltmp2, $4  }
0x45: {  	[hbm:s5], [sflag:s15] =	dma.local [spmem:s16], $0x2800  }
0x46: {  	_ =	swait.ge [sflag:s13], $0x2800  }
0x47: {  	[sflag:s13] =	ssyncset.done $0x0  }
0x48: {  	[sflag:s13] =	ssyncadd.s32 $0xFFFFD800  }
0x49: {  	_ =	sfence.sel $0x180000  }
0x4a: {  	[bflag:$0x0] =	sbarrier.arrive $0xFFFF  }
0x4b: {  	p0 =	sne.s32 s1, $0x0;
	_ =	strace $0x90000047  }
0x4c: {  	s0 =	sadd.s32 @!p0 $0x100000, s0;
	[bflag:$0x2] =	sbarrier.arrive $0xFFFF  }
0x4d: {  	[sflag:s0] =	ssyncadd.tile.s32 @!p0 $0x1;
	_ =	shalt  }
.Lfunc_end2:
_tile_overlayer_lowered:
.L_overlay_start_2:
0x4e: {  	(tag) =	ssettag $0x2  }
0x4f: {  	s0 =	rddreg [dreg:$0x0];
	s2 =	stileid.u32  }
0x50: {  	s1 =	rddreg [dreg:$0x1];
	p0 =	sne.s32 s2, $0x0  }
0x51: {  	s3 =	rddreg [dreg:$0x2];
	[bflag:$0x3] =	sbarrier.arrive $0xFFFF;
	s2 =	simm.s32 @!p0 $0x1C01  }
0x52: {  	[timem:s3], [sflag:s2] =	dma.local @!p0 [hbm:s0], s1  }
0x53: {  	s0 =	simm.s32 @!p0 $0x1  }
0x54: {  	_ =	swait.ge @!p0 [sflag:s0], s1  }
0x55: {  	s1 =	ssub.s32 @!p0 $0x0, s1;
	[sflag:s0] =	ssyncset.done @!p0 $0x0  }
0x56: {  	[sflag:s0] =	ssyncadd.s32 @!p0 s1  }
0x57: {  	[bflag:$0x3] =	sbarrier.arrive $0xFFFF  }
0x58: {  	_ =	shalt  }

</sc_bundles>
